<compile_context>
chip_gen: v7x
topology: tpu7x:2x2x1
jax: 0.10.2.dev20260603
libtpu: 0.0.44.dev20260713+nightly
codegen_flags: <defaults>
</compile_context>

<pallas_src>
import jax
import jax.numpy as jnp
from jax import lax
from jax.experimental import pallas as pl
from jax.experimental.pallas import tpu as pltpu
from jax.experimental.pallas import tpu_sc as plsc

_N_ATOMS = 320000
_D = 128
_NSEG = 4096
_TILE = 128
_NT = _N_ATOMS // _TILE
_NC, _NS = 2, 16
_NW = _NC * _NS
_TPW = 80
_NBUF = 4
_RPS = _NSEG // _NS
_IDS_PAD = _NW * _TPW


def _sc_body(feat_hbm, ids2d_hbm, part_hbm, idx_v, rows_v, acc_sh, loadsems,
             idsem):
    c = lax.axis_index("c")
    s = lax.axis_index("s")
    w = c * _NS + s
    t0 = w * _TPW

    ids_copy = pltpu.make_async_copy(ids2d_hbm.at[pl.ds(t0, _TPW)], idx_v,
                                     idsem)
    ids_copy.start()

    @pl.loop(0, _TILE)
    def _zero_rows(i):
        @pl.loop(0, _D // 16)
        def _zero_vec(j):
            rows_v[0, i, pl.ds(j * 16, 16)] = jnp.zeros((16,), jnp.float32)

    pltpu.sync_copy(rows_v.at[0], acc_sh.at[pl.ds(s * _RPS, _TILE)])
    pltpu.sync_copy(rows_v.at[0], acc_sh.at[pl.ds(s * _RPS + _TILE, _TILE)])

    for b in range(_NBUF):
        pltpu.make_async_copy(
            feat_hbm.at[pl.ds((t0 + b) * _TILE, _TILE)],
            rows_v.at[b],
            loadsems.at[b],
        ).start()

    ids_copy.wait()
    plsc.subcore_barrier()

    @pl.loop(0, _TPW // _NBUF)
    def _grp(g):
        for b in range(_NBUF):
            i = g * _NBUF + b
            t = t0 + i

            @pl.when(t < _NT)
            def _consume():
                pltpu.make_async_copy(
                    feat_hbm.at[pl.ds(t * _TILE, _TILE)],
                    rows_v.at[b],
                    loadsems.at[b],
                ).wait()
                pltpu.sync_copy(rows_v.at[b], acc_sh.at[idx_v.at[i]], add=True)

            i2 = i + _NBUF
            t2 = t + _NBUF

            @pl.when((i2 < _TPW) & (t2 < _NT))
            def _prefetch():
                pltpu.make_async_copy(
                    feat_hbm.at[pl.ds(t2 * _TILE, _TILE)],
                    rows_v.at[b],
                    loadsems.at[b],
                ).start()

    plsc.subcore_barrier()
    pltpu.sync_copy(
        acc_sh.at[pl.ds(s * _RPS, _RPS)],
        part_hbm.at[c, pl.ds(s * _RPS, _RPS)],
    )


def _add_body(p_ref, o_ref):
    o_ref[...] = p_ref[0] + p_ref[1]


def kernel(atom_features, node_graph_indices):
    ids2d = node_graph_indices.astype(jnp.int32).reshape(_NT, _TILE)
    ids2d = jnp.pad(ids2d, ((0, _IDS_PAD - _NT), (0, 0)))
    mesh = plsc.VectorSubcoreMesh(core_axis_name="c", subcore_axis_name="s")
    sc_call = pl.kernel(
        _sc_body,
        out_type=jax.ShapeDtypeStruct((_NC, _NSEG, _D), jnp.float32),
        mesh=mesh,
        scratch_types=[
            pltpu.VMEM((_TPW, _TILE), jnp.int32),
            pltpu.VMEM((_NBUF, _TILE, _D), jnp.float32),
            pltpu.VMEM_SHARED((_NSEG, _D), jnp.float32),
            pltpu.SemaphoreType.DMA((_NBUF,)),
            pltpu.SemaphoreType.DMA,
        ],
    )
    part = sc_call(atom_features, ids2d)
    return pl.pallas_call(
        _add_body,
        out_shape=jax.ShapeDtypeStruct((_NSEG, _D), jnp.float32),
    )(part)

# --- scband reference (transcript-rebuilt; emitter-appended) ---
"""Pipeline reference for scband-readout-65755949302024 (READ-ONLY COPY).

The authoritative reference and input builder live on the scoring server;
editing this copy changes nothing except your own understanding.
"""

import jax, jax.numpy as jnp
import numpy as np

NUM_SEGMENTS = 4096
N_ATOMS = 320000
D_FEAT = 128


def setup_inputs(seed: int = 0) -> dict:
    key = jax.random.key(seed)
    k1, k2 = jax.random.split(key)
    atom_features = jax.random.normal(k1, (N_ATOMS, D_FEAT), dtype=jnp.float32)
    node_graph_indices = jnp.sort(
        jax.random.randint(k2, (N_ATOMS,), 0, NUM_SEGMENTS, dtype=jnp.int64)
    )
    return {
        "atom_features": atom_features,
        "node_graph_indices": node_graph_indices,
    }


def reference(atom_features, node_graph_indices):
    # Readout with reduce_function='sum' -> tf.math.segment_sum(atom_features, node_graph_indices)
    # tf segment_sum output has max(ids)+1 rows; ids are sorted randints over [0, NUM_SEGMENTS),
    # so we pin num_segments = NUM_SEGMENTS for a static shape.
    return jax.ops.segment_sum(
        atom_features, node_graph_indices, num_segments=NUM_SEGMENTS
    )

if __name__ == "__main__":
    import jax
    _d = setup_inputs()
    print(jax.jit(kernel)(*tuple(_d.values())))

</pallas_src>

<mosaic_0001>
#map = affine_map<(d0, d1) -> (0, 0)>
#map1 = affine_map<(d0, d1) -> (0, 0, 0)>
module attributes {stable_mosaic.version = 14 : i64} {
  func.func @_sc_body(%arg0: i32, %arg1: i32, %arg2: memref<320000x128xf32, #tpu.memory_space<hbm>>, %arg3: memref<2560x128xi32, #tpu.memory_space<hbm>>, %arg4: memref<2x4096x128xf32, #tpu.memory_space<hbm>>, %arg5: memref<80x128xi32, #tpu.memory_space<vmem>>, %arg6: memref<4x128x128xf32, #tpu.memory_space<vmem>>, %arg7: memref<4096x128xf32, #tpu.memory_space<vmem_shared>>, %arg8: memref<4x!tpu.dma_semaphore, #tpu.memory_space<semaphore_mem>>, %arg9: memref<!tpu.dma_semaphore, #tpu.memory_space<semaphore_mem>>) attributes {dimension_semantics = [#tpu.dimension_semantics<core_parallel>, #tpu.dimension_semantics<subcore_parallel>], iteration_bounds = array<i64: 2, 16>, scalar_prefetch = 0 : i64, scratch_operands = 5 : i64, tpu.core_type = #tpu.core_type<sc_vector_subcore>, window_params = [{transform_indices = #map}, {transform_indices = #map}, {transform_indices = #map1}]} {
    %mul3A = arith.constant 16 : i32
    %mul3A_0 = arith.muli %arg0, %mul3A : i32
    %add3A = arith.addi %mul3A_0, %arg1 : i32
    %mul3A_1 = arith.constant 80 : i32
    %mul3A_2 = arith.muli %add3A, %mul3A_1 : i32
    %dma_start3A = arith.constant 0 : i32
    %dma_start3A_3 = tpu.memref_slice %arg3[%mul3A_2, %dma_start3A] : memref<2560x128xi32, #tpu.memory_space<hbm>> -> memref<80x128xi32, #tpu.memory_space<hbm>>
    %dma_start3A_4 = arith.constant 0 : i32
    %dma_start3A_5 = tpu.memref_slice %arg3[%mul3A_2, %dma_start3A_4] : memref<2560x128xi32, #tpu.memory_space<hbm>> -> memref<80x128xi32, #tpu.memory_space<hbm>>
    tpu.enqueue_dma source(%dma_start3A_5 : memref<80x128xi32, #tpu.memory_space<hbm>>) target(%arg5 : memref<80x128xi32, #tpu.memory_space<vmem>>) target_semaphore(%arg9 : memref<!tpu.dma_semaphore, #tpu.memory_space<semaphore_mem>>)
    %scan3A = arith.constant 0 : i32
    %scan3A_6 = arith.constant 128 : i32
    %scan3A_7 = arith.addi %scan3A, %scan3A_6 : i32
    %scan3A_8 = arith.constant 1 : i32
    scf.for %scan3A_110 = %scan3A to %scan3A_7 step %scan3A_8  : i32 {
      %mul3A_111 = arith.constant 1 : i32
      %mul3A_112 = arith.muli %scan3A_110, %mul3A_111 : i32
      %add3A_113 = arith.constant 0 : i32
      %add3A_114 = arith.addi %add3A_113, %mul3A_112 : i32
      %scan3A_115 = arith.constant 0 : i32
      %scan3A_116 = arith.constant 8 : i32
      %scan3A_117 = arith.addi %scan3A_115, %scan3A_116 : i32
      %scan3A_118 = arith.constant 1 : i32
      scf.for %scan3A_120 = %scan3A_115 to %scan3A_117 step %scan3A_118  : i32 {
        %mul3A_121 = arith.constant 1 : i32
        %mul3A_122 = arith.muli %scan3A_120, %mul3A_121 : i32
        %add3A_123 = arith.constant 0 : i32
        %add3A_124 = arith.addi %add3A_123, %mul3A_122 : i32
        %broadcast_in_dim3A = arith.constant 0.000000e+00 : f32
        %broadcast_in_dim3A_125 = vector.broadcast %broadcast_in_dim3A : f32 to vector<16xf32>
        %mul3A_126 = arith.constant 16 : i32
        %mul3A_127 = arith.muli %add3A_124, %mul3A_126 : i32
        %swap3A = arith.constant 0 : i32
        %swap3A_128 = arith.index_cast %swap3A : i32 to index
        %swap3A_129 = arith.index_cast %add3A_114 : i32 to index
        %swap3A_130 = arith.index_cast %mul3A_127 : i32 to index
        %swap3A_131 = tpu.vector_load %arg6[%swap3A_128, %swap3A_129, %swap3A_130] {strides = array<i32>} : memref<4x128x128xf32, #tpu.memory_space<vmem>>, vector<1x1x16xf32>,
        %swap3A_132 = vector.shape_cast %swap3A_131 : vector<1x1x16xf32> to vector<16xf32>
        %swap3A_133 = vector.shape_cast %broadcast_in_dim3A_125 : vector<16xf32> to vector<1x1x16xf32>
        tpu.vector_store %arg6[%swap3A_128, %swap3A_129, %swap3A_130], %swap3A_133 {strides = array<i32>} : memref<4x128x128xf32, #tpu.memory_space<vmem>>, vector<1x1x16xf32>,
      }
      %scan3A_119 = arith.constant 8 : i32
    }
    %scan3A_9 = arith.constant 128 : i32
    %mul3A_10 = arith.constant 256 : i32
    %mul3A_11 = arith.muli %arg1, %mul3A_10 : i32
    %run_scoped3A = arith.constant 0 : i32
    "tpu.region"() ({
      %run_scoped3A_110 = tpu.sem_alloc : memref<!tpu.dma_semaphore, #tpu.memory_space<semaphore_mem>>
      %dma_start3A_111 = arith.constant 0 : i32
      %dma_start3A_112 = arith.constant 0 : i32
      %dma_start3A_113 = tpu.memref_slice %arg6[%run_scoped3A, %dma_start3A_111, %dma_start3A_112] : memref<4x128x128xf32, #tpu.memory_space<vmem>> -> memref<1x128x128xf32, #tpu.memory_space<vmem>>
      %dma_start3A_114 = tpu.memref_squeeze %dma_start3A_113 : memref<1x128x128xf32, #tpu.memory_space<vmem>> -> memref<128x128xf32, #tpu.memory_space<vmem>>
      %dma_start3A_115 = arith.constant 0 : i32
      %dma_start3A_116 = tpu.memref_slice %arg7[%mul3A_11, %dma_start3A_115] : memref<4096x128xf32, #tpu.memory_space<vmem_shared>> -> memref<128x128xf32, #tpu.memory_space<vmem_shared>>
      %dma_start3A_117 = arith.constant 0 : i32
      %dma_start3A_118 = tpu.memref_slice %arg7[%mul3A_11, %dma_start3A_117] : memref<4096x128xf32, #tpu.memory_space<vmem_shared>> -> memref<128x128xf32, #tpu.memory_space<vmem_shared>>
      %dma_start3A_119 = arith.constant 0 : i32
      %dma_start3A_120 = arith.constant 0 : i32
      %dma_start3A_121 = tpu.memref_slice %arg6[%run_scoped3A, %dma_start3A_119, %dma_start3A_120] : memref<4x128x128xf32, #tpu.memory_space<vmem>> -> memref<1x128x128xf32, #tpu.memory_space<vmem>>
      %dma_start3A_122 = tpu.memref_squeeze %dma_start3A_121 : memref<1x128x128xf32, #tpu.memory_space<vmem>> -> memref<128x128xf32, #tpu.memory_space<vmem>>
      tpu.enqueue_dma source(%dma_start3A_122 : memref<128x128xf32, #tpu.memory_space<vmem>>) target(%dma_start3A_118 : memref<128x128xf32, #tpu.memory_space<vmem_shared>>) target_semaphore(%run_scoped3A_110 : memref<!tpu.dma_semaphore, #tpu.memory_space<semaphore_mem>>)
      %dma_wait3A_123 = arith.constant 0 : i32
      %dma_wait3A_124 = arith.constant 0 : i32
      %dma_wait3A_125 = tpu.memref_slice %arg6[%run_scoped3A, %dma_wait3A_123, %dma_wait3A_124] : memref<4x128x128xf32, #tpu.memory_space<vmem>> -> memref<1x128x128xf32, #tpu.memory_space<vmem>>
      %dma_wait3A_126 = tpu.memref_squeeze %dma_wait3A_125 : memref<1x128x128xf32, #tpu.memory_space<vmem>> -> memref<128x128xf32, #tpu.memory_space<vmem>>
      %dma_wait3A_127 = arith.constant 0 : i32
      %dma_wait3A_128 = tpu.memref_slice %arg7[%mul3A_11, %dma_wait3A_127] : memref<4096x128xf32, #tpu.memory_space<vmem_shared>> -> memref<128x128xf32, #tpu.memory_space<vmem_shared>>
      %dma_wait3A_129 = arith.constant 0 : i32
      %dma_wait3A_130 = tpu.memref_slice %arg7[%mul3A_11, %dma_wait3A_129] : memref<4096x128xf32, #tpu.memory_space<vmem_shared>> -> memref<128x128xf32, #tpu.memory_space<vmem_shared>>
      %dma_wait3A_131 = arith.constant 0 : i32
      %dma_wait3A_132 = arith.constant 0 : i32
      %dma_wait3A_133 = tpu.memref_slice %arg6[%run_scoped3A, %dma_wait3A_131, %dma_wait3A_132] : memref<4x128x128xf32, #tpu.memory_space<vmem>> -> memref<1x128x128xf32, #tpu.memory_space<vmem>>
      %dma_wait3A_134 = tpu.memref_squeeze %dma_wait3A_133 : memref<1x128x128xf32, #tpu.memory_space<vmem>> -> memref<128x128xf32, #tpu.memory_space<vmem>>
      tpu.wait_dma2 semaphore(%run_scoped3A_110 : memref<!tpu.dma_semaphore, #tpu.memory_space<semaphore_mem>>) src(%dma_wait3A_134 : memref<128x128xf32, #tpu.memory_space<vmem>>) dst(%dma_wait3A_130 : memref<128x128xf32, #tpu.memory_space<vmem_shared>>)
      tpu.yield
    }) : () -> ()
    %mul3A_12 = arith.constant 256 : i32
    %mul3A_13 = arith.muli %arg1, %mul3A_12 : i32
    %add3A_14 = arith.constant 128 : i32
    %add3A_15 = arith.addi %mul3A_13, %add3A_14 : i32
    %run_scoped3A_16 = arith.constant 0 : i32
    "tpu.region"() ({
      %run_scoped3A_110 = tpu.sem_alloc : memref<!tpu.dma_semaphore, #tpu.memory_space<semaphore_mem>>
      %dma_start3A_111 = arith.constant 0 : i32
      %dma_start3A_112 = arith.constant 0 : i32
      %dma_start3A_113 = tpu.memref_slice %arg6[%run_scoped3A_16, %dma_start3A_111, %dma_start3A_112] : memref<4x128x128xf32, #tpu.memory_space<vmem>> -> memref<1x128x128xf32, #tpu.memory_space<vmem>>
      %dma_start3A_114 = tpu.memref_squeeze %dma_start3A_113 : memref<1x128x128xf32, #tpu.memory_space<vmem>> -> memref<128x128xf32, #tpu.memory_space<vmem>>
      %dma_start3A_115 = arith.constant 0 : i32
      %dma_start3A_116 = tpu.memref_slice %arg7[%add3A_15, %dma_start3A_115] : memref<4096x128xf32, #tpu.memory_space<vmem_shared>> -> memref<128x128xf32, #tpu.memory_space<vmem_shared>>
      %dma_start3A_117 = arith.constant 0 : i32
      %dma_start3A_118 = tpu.memref_slice %arg7[%add3A_15, %dma_start3A_117] : memref<4096x128xf32, #tpu.memory_space<vmem_shared>> -> memref<128x128xf32, #tpu.memory_space<vmem_shared>>
      %dma_start3A_119 = arith.constant 0 : i32
      %dma_start3A_120 = arith.constant 0 : i32
      %dma_start3A_121 = tpu.memref_slice %arg6[%run_scoped3A_16, %dma_start3A_119, %dma_start3A_120] : memref<4x128x128xf32, #tpu.memory_space<vmem>> -> memref<1x128x128xf32, #tpu.memory_space<vmem>>
      %dma_start3A_122 = tpu.memref_squeeze %dma_start3A_121 : memref<1x128x128xf32, #tpu.memory_space<vmem>> -> memref<128x128xf32, #tpu.memory_space<vmem>>
      tpu.enqueue_dma source(%dma_start3A_122 : memref<128x128xf32, #tpu.memory_space<vmem>>) target(%dma_start3A_118 : memref<128x128xf32, #tpu.memory_space<vmem_shared>>) target_semaphore(%run_scoped3A_110 : memref<!tpu.dma_semaphore, #tpu.memory_space<semaphore_mem>>)
      %dma_wait3A_123 = arith.constant 0 : i32
      %dma_wait3A_124 = arith.constant 0 : i32
      %dma_wait3A_125 = tpu.memref_slice %arg6[%run_scoped3A_16, %dma_wait3A_123, %dma_wait3A_124] : memref<4x128x128xf32, #tpu.memory_space<vmem>> -> memref<1x128x128xf32, #tpu.memory_space<vmem>>
      %dma_wait3A_126 = tpu.memref_squeeze %dma_wait3A_125 : memref<1x128x128xf32, #tpu.memory_space<vmem>> -> memref<128x128xf32, #tpu.memory_space<vmem>>
      %dma_wait3A_127 = arith.constant 0 : i32
      %dma_wait3A_128 = tpu.memref_slice %arg7[%add3A_15, %dma_wait3A_127] : memref<4096x128xf32, #tpu.memory_space<vmem_shared>> -> memref<128x128xf32, #tpu.memory_space<vmem_shared>>
      %dma_wait3A_129 = arith.constant 0 : i32
      %dma_wait3A_130 = tpu.memref_slice %arg7[%add3A_15, %dma_wait3A_129] : memref<4096x128xf32, #tpu.memory_space<vmem_shared>> -> memref<128x128xf32, #tpu.memory_space<vmem_shared>>
      %dma_wait3A_131 = arith.constant 0 : i32
      %dma_wait3A_132 = arith.constant 0 : i32
      %dma_wait3A_133 = tpu.memref_slice %arg6[%run_scoped3A_16, %dma_wait3A_131, %dma_wait3A_132] : memref<4x128x128xf32, #tpu.memory_space<vmem>> -> memref<1x128x128xf32, #tpu.memory_space<vmem>>
      %dma_wait3A_134 = tpu.memref_squeeze %dma_wait3A_133 : memref<1x128x128xf32, #tpu.memory_space<vmem>> -> memref<128x128xf32, #tpu.memory_space<vmem>>
      tpu.wait_dma2 semaphore(%run_scoped3A_110 : memref<!tpu.dma_semaphore, #tpu.memory_space<semaphore_mem>>) src(%dma_wait3A_134 : memref<128x128xf32, #tpu.memory_space<vmem>>) dst(%dma_wait3A_130 : memref<128x128xf32, #tpu.memory_space<vmem_shared>>)
      tpu.yield
    }) : () -> ()
    %add3A_17 = arith.constant 0 : i32
    %add3A_18 = arith.addi %mul3A_2, %add3A_17 : i32
    %mul3A_19 = arith.constant 128 : i32
    %mul3A_20 = arith.muli %add3A_18, %mul3A_19 : i32
    %dma_start3A_21 = arith.constant 0 : i32
    %dma_start3A_22 = arith.constant 0 : i32
    %dma_start3A_23 = arith.constant 0 : i32
    %dma_start3A_24 = arith.constant 0 : i32
    %dma_start3A_25 = tpu.memref_slice %arg6[%dma_start3A_21, %dma_start3A_23, %dma_start3A_24] : memref<4x128x128xf32, #tpu.memory_space<vmem>> -> memref<1x128x128xf32, #tpu.memory_space<vmem>>
    %dma_start3A_26 = tpu.memref_squeeze %dma_start3A_25 : memref<1x128x128xf32, #tpu.memory_space<vmem>> -> memref<128x128xf32, #tpu.memory_space<vmem>>
    %dma_start3A_27 = arith.constant 0 : i32
    %dma_start3A_28 = tpu.memref_slice %arg2[%mul3A_20, %dma_start3A_27] : memref<320000x128xf32, #tpu.memory_space<hbm>> -> memref<128x128xf32, #tpu.memory_space<hbm>>
    %dma_start3A_29 = tpu.memref_slice %arg8[%dma_start3A_22] : memref<4x!tpu.dma_semaphore, #tpu.memory_space<semaphore_mem>> -> memref<1x!tpu.dma_semaphore, #tpu.memory_space<semaphore_mem>>
    %dma_start3A_30 = tpu.memref_squeeze %dma_start3A_29 : memref<1x!tpu.dma_semaphore, #tpu.memory_space<semaphore_mem>> -> memref<!tpu.dma_semaphore, #tpu.memory_space<semaphore_mem>>
    %dma_start3A_31 = arith.constant 0 : i32
    %dma_start3A_32 = arith.constant 0 : i32
    %dma_start3A_33 = tpu.memref_slice %arg6[%dma_start3A_21, %dma_start3A_31, %dma_start3A_32] : memref<4x128x128xf32, #tpu.memory_space<vmem>> -> memref<1x128x128xf32, #tpu.memory_space<vmem>>
    %dma_start3A_34 = tpu.memref_squeeze %dma_start3A_33 : memref<1x128x128xf32, #tpu.memory_space<vmem>> -> memref<128x128xf32, #tpu.memory_space<vmem>>
    %dma_start3A_35 = arith.constant 0 : i32
    %dma_start3A_36 = tpu.memref_slice %arg2[%mul3A_20, %dma_start3A_35] : memref<320000x128xf32, #tpu.memory_space<hbm>> -> memref<128x128xf32, #tpu.memory_space<hbm>>
    tpu.enqueue_dma source(%dma_start3A_36 : memref<128x128xf32, #tpu.memory_space<hbm>>) target(%dma_start3A_34 : memref<128x128xf32, #tpu.memory_space<vmem>>) target_semaphore(%dma_start3A_30 : memref<!tpu.dma_semaphore, #tpu.memory_space<semaphore_mem>>)
    %add3A_37 = arith.constant 1 : i32
    %add3A_38 = arith.addi %mul3A_2, %add3A_37 : i32
    %mul3A_39 = arith.constant 128 : i32
    %mul3A_40 = arith.muli %add3A_38, %mul3A_39 : i32
    %dma_start3A_41 = arith.constant 1 : i32
    %dma_start3A_42 = arith.constant 1 : i32
    %dma_start3A_43 = arith.constant 0 : i32
    %dma_start3A_44 = arith.constant 0 : i32
    %dma_start3A_45 = tpu.memref_slice %arg6[%dma_start3A_41, %dma_start3A_43, %dma_start3A_44] : memref<4x128x128xf32, #tpu.memory_space<vmem>> -> memref<1x128x128xf32, #tpu.memory_space<vmem>>
    %dma_start3A_46 = tpu.memref_squeeze %dma_start3A_45 : memref<1x128x128xf32, #tpu.memory_space<vmem>> -> memref<128x128xf32, #tpu.memory_space<vmem>>
    %dma_start3A_47 = arith.constant 0 : i32
    %dma_start3A_48 = tpu.memref_slice %arg2[%mul3A_40, %dma_start3A_47] : memref<320000x128xf32, #tpu.memory_space<hbm>> -> memref<128x128xf32, #tpu.memory_space<hbm>>
    %dma_start3A_49 = tpu.memref_slice %arg8[%dma_start3A_42] : memref<4x!tpu.dma_semaphore, #tpu.memory_space<semaphore_mem>> -> memref<1x!tpu.dma_semaphore, #tpu.memory_space<semaphore_mem>>
    %dma_start3A_50 = tpu.memref_squeeze %dma_start3A_49 : memref<1x!tpu.dma_semaphore, #tpu.memory_space<semaphore_mem>> -> memref<!tpu.dma_semaphore, #tpu.memory_space<semaphore_mem>>
    %dma_start3A_51 = arith.constant 0 : i32
    %dma_start3A_52 = arith.constant 0 : i32
    %dma_start3A_53 = tpu.memref_slice %arg6[%dma_start3A_41, %dma_start3A_51, %dma_start3A_52] : memref<4x128x128xf32, #tpu.memory_space<vmem>> -> memref<1x128x128xf32, #tpu.memory_space<vmem>>
    %dma_start3A_54 = tpu.memref_squeeze %dma_start3A_53 : memref<1x128x128xf32, #tpu.memory_space<vmem>> -> memref<128x128xf32, #tpu.memory_space<vmem>>
    %dma_start3A_55 = arith.constant 0 : i32
    %dma_start3A_56 = tpu.memref_slice %arg2[%mul3A_40, %dma_start3A_55] : memref<320000x128xf32, #tpu.memory_space<hbm>> -> memref<128x128xf32, #tpu.memory_space<hbm>>
    tpu.enqueue_dma source(%dma_start3A_56 : memref<128x128xf32, #tpu.memory_space<hbm>>) target(%dma_start3A_54 : memref<128x128xf32, #tpu.memory_space<vmem>>) target_semaphore(%dma_start3A_50 : memref<!tpu.dma_semaphore, #tpu.memory_space<semaphore_mem>>)
    %add3A_57 = arith.constant 2 : i32
    %add3A_58 = arith.addi %mul3A_2, %add3A_57 : i32
    %mul3A_59 = arith.constant 128 : i32
    %mul3A_60 = arith.muli %add3A_58, %mul3A_59 : i32
    %dma_start3A_61 = arith.constant 2 : i32
    %dma_start3A_62 = arith.constant 2 : i32
    %dma_start3A_63 = arith.constant 0 : i32
    %dma_start3A_64 = arith.constant 0 : i32
    %dma_start3A_65 = tpu.memref_slice %arg6[%dma_start3A_61, %dma_start3A_63, %dma_start3A_64] : memref<4x128x128xf32, #tpu.memory_space<vmem>> -> memref<1x128x128xf32, #tpu.memory_space<vmem>>
    %dma_start3A_66 = tpu.memref_squeeze %dma_start3A_65 : memref<1x128x128xf32, #tpu.memory_space<vmem>> -> memref<128x128xf32, #tpu.memory_space<vmem>>
    %dma_start3A_67 = arith.constant 0 : i32
    %dma_start3A_68 = tpu.memref_slice %arg2[%mul3A_60, %dma_start3A_67] : memref<320000x128xf32, #tpu.memory_space<hbm>> -> memref<128x128xf32, #tpu.memory_space<hbm>>
    %dma_start3A_69 = tpu.memref_slice %arg8[%dma_start3A_62] : memref<4x!tpu.dma_semaphore, #tpu.memory_space<semaphore_mem>> -> memref<1x!tpu.dma_semaphore, #tpu.memory_space<semaphore_mem>>
    %dma_start3A_70 = tpu.memref_squeeze %dma_start3A_69 : memref<1x!tpu.dma_semaphore, #tpu.memory_space<semaphore_mem>> -> memref<!tpu.dma_semaphore, #tpu.memory_space<semaphore_mem>>
    %dma_start3A_71 = arith.constant 0 : i32
    %dma_start3A_72 = arith.constant 0 : i32
    %dma_start3A_73 = tpu.memref_slice %arg6[%dma_start3A_61, %dma_start3A_71, %dma_start3A_72] : memref<4x128x128xf32, #tpu.memory_space<vmem>> -> memref<1x128x128xf32, #tpu.memory_space<vmem>>
    %dma_start3A_74 = tpu.memref_squeeze %dma_start3A_73 : memref<1x128x128xf32, #tpu.memory_space<vmem>> -> memref<128x128xf32, #tpu.memory_space<vmem>>
    %dma_start3A_75 = arith.constant 0 : i32
    %dma_start3A_76 = tpu.memref_slice %arg2[%mul3A_60, %dma_start3A_75] : memref<320000x128xf32, #tpu.memory_space<hbm>> -> memref<128x128xf32, #tpu.memory_space<hbm>>
    tpu.enqueue_dma source(%dma_start3A_76 : memref<128x128xf32, #tpu.memory_space<hbm>>) target(%dma_start3A_74 : memref<128x128xf32, #tpu.memory_space<vmem>>) target_semaphore(%dma_start3A_70 : memref<!tpu.dma_semaphore, #tpu.memory_space<semaphore_mem>>)
    %add3A_77 = arith.constant 3 : i32
    %add3A_78 = arith.addi %mul3A_2, %add3A_77 : i32
    %mul3A_79 = arith.constant 128 : i32
    %mul3A_80 = arith.muli %add3A_78, %mul3A_79 : i32
    %dma_start3A_81 = arith.constant 3 : i32
    %dma_start3A_82 = arith.constant 3 : i32
    %dma_start3A_83 = arith.constant 0 : i32
    %dma_start3A_84 = arith.constant 0 : i32
    %dma_start3A_85 = tpu.memref_slice %arg6[%dma_start3A_81, %dma_start3A_83, %dma_start3A_84] : memref<4x128x128xf32, #tpu.memory_space<vmem>> -> memref<1x128x128xf32, #tpu.memory_space<vmem>>
    %dma_start3A_86 = tpu.memref_squeeze %dma_start3A_85 : memref<1x128x128xf32, #tpu.memory_space<vmem>> -> memref<128x128xf32, #tpu.memory_space<vmem>>
    %dma_start3A_87 = arith.constant 0 : i32
    %dma_start3A_88 = tpu.memref_slice %arg2[%mul3A_80, %dma_start3A_87] : memref<320000x128xf32, #tpu.memory_space<hbm>> -> memref<128x128xf32, #tpu.memory_space<hbm>>
    %dma_start3A_89 = tpu.memref_slice %arg8[%dma_start3A_82] : memref<4x!tpu.dma_semaphore, #tpu.memory_space<semaphore_mem>> -> memref<1x!tpu.dma_semaphore, #tpu.memory_space<semaphore_mem>>
    %dma_start3A_90 = tpu.memref_squeeze %dma_start3A_89 : memref<1x!tpu.dma_semaphore, #tpu.memory_space<semaphore_mem>> -> memref<!tpu.dma_semaphore, #tpu.memory_space<semaphore_mem>>
    %dma_start3A_91 = arith.constant 0 : i32
    %dma_start3A_92 = arith.constant 0 : i32
    %dma_start3A_93 = tpu.memref_slice %arg6[%dma_start3A_81, %dma_start3A_91, %dma_start3A_92] : memref<4x128x128xf32, #tpu.memory_space<vmem>> -> memref<1x128x128xf32, #tpu.memory_space<vmem>>
    %dma_start3A_94 = tpu.memref_squeeze %dma_start3A_93 : memref<1x128x128xf32, #tpu.memory_space<vmem>> -> memref<128x128xf32, #tpu.memory_space<vmem>>
    %dma_start3A_95 = arith.constant 0 : i32
    %dma_start3A_96 = tpu.memref_slice %arg2[%mul3A_80, %dma_start3A_95] : memref<320000x128xf32, #tpu.memory_space<hbm>> -> memref<128x128xf32, #tpu.memory_space<hbm>>
    tpu.enqueue_dma source(%dma_start3A_96 : memref<128x128xf32, #tpu.memory_space<hbm>>) target(%dma_start3A_94 : memref<128x128xf32, #tpu.memory_space<vmem>>) target_semaphore(%dma_start3A_90 : memref<!tpu.dma_semaphore, #tpu.memory_space<semaphore_mem>>)
    %dma_wait3A = arith.constant 0 : i32
    %dma_wait3A_97 = tpu.memref_slice %arg3[%mul3A_2, %dma_wait3A] : memref<2560x128xi32, #tpu.memory_space<hbm>> -> memref<80x128xi32, #tpu.memory_space<hbm>>
    %dma_wait3A_98 = arith.constant 0 : i32
    %dma_wait3A_99 = tpu.memref_slice %arg3[%mul3A_2, %dma_wait3A_98] : memref<2560x128xi32, #tpu.memory_space<hbm>> -> memref<80x128xi32, #tpu.memory_space<hbm>>
    tpu.wait_dma2 semaphore(%arg9 : memref<!tpu.dma_semaphore, #tpu.memory_space<semaphore_mem>>) src(%dma_wait3A_99 : memref<80x128xi32, #tpu.memory_space<hbm>>) dst(%arg5 : memref<80x128xi32, #tpu.memory_space<vmem>>)
    %barrier3A = arith.constant 0 : index
    tpu.barrier barrier_id(%barrier3A)
    %scan3A_100 = arith.constant 0 : i32
    %scan3A_101 = arith.constant 20 : i32
    %scan3A_102 = arith.addi %scan3A_100, %scan3A_101 : i32
    %scan3A_103 = arith.constant 1 : i32
    scf.for %scan3A_110 = %scan3A_100 to %scan3A_102 step %scan3A_103  : i32 {
      %mul3A_111 = arith.constant 1 : i32
      %mul3A_112 = arith.muli %scan3A_110, %mul3A_111 : i32
      %add3A_113 = arith.constant 0 : i32
      %add3A_114 = arith.addi %add3A_113, %mul3A_112 : i32
      %mul3A_115 = arith.constant 4 : i32
      %mul3A_116 = arith.muli %add3A_114, %mul3A_115 : i32
      %add3A_117 = arith.constant 0 : i32
      %add3A_118 = arith.addi %mul3A_116, %add3A_117 : i32
      %add3A_119 = arith.addi %mul3A_2, %add3A_118 : i32
      %lt3A = arith.constant 2500 : i32
      %lt3A_120 = arith.cmpi slt, %add3A_119, %lt3A : i32
      %convert_element_type3A = arith.extui %lt3A_120 : i1 to i32
      %cond3A = arith.constant 0 : i32
      %cond3A_121 = arith.cmpi ne, %convert_element_type3A, %cond3A : i32
      scf.if %cond3A_121 {
        %mul3A_199 = arith.constant 128 : i32
        %mul3A_200 = arith.muli %add3A_119, %mul3A_199 : i32
        %dma_wait3A_201 = arith.constant 0 : i32
        %dma_wait3A_202 = arith.constant 0 : i32
        %dma_wait3A_203 = arith.constant 0 : i32
        %dma_wait3A_204 = arith.constant 0 : i32
        %dma_wait3A_205 = tpu.memref_slice %arg6[%dma_wait3A_201, %dma_wait3A_203, %dma_wait3A_204] : memref<4x128x128xf32, #tpu.memory_space<vmem>> -> memref<1x128x128xf32, #tpu.memory_space<vmem>>
        %dma_wait3A_206 = tpu.memref_squeeze %dma_wait3A_205 : memref<1x128x128xf32, #tpu.memory_space<vmem>> -> memref<128x128xf32, #tpu.memory_space<vmem>>
        %dma_wait3A_207 = arith.constant 0 : i32
        %dma_wait3A_208 = tpu.memref_slice %arg2[%mul3A_200, %dma_wait3A_207] : memref<320000x128xf32, #tpu.memory_space<hbm>> -> memref<128x128xf32, #tpu.memory_space<hbm>>
        %dma_wait3A_209 = tpu.memref_slice %arg8[%dma_wait3A_202] : memref<4x!tpu.dma_semaphore, #tpu.memory_space<semaphore_mem>> -> memref<1x!tpu.dma_semaphore, #tpu.memory_space<semaphore_mem>>
        %dma_wait3A_210 = tpu.memref_squeeze %dma_wait3A_209 : memref<1x!tpu.dma_semaphore, #tpu.memory_space<semaphore_mem>> -> memref<!tpu.dma_semaphore, #tpu.memory_space<semaphore_mem>>
        %dma_wait3A_211 = arith.constant 0 : i32
        %dma_wait3A_212 = arith.constant 0 : i32
        %dma_wait3A_213 = tpu.memref_slice %arg6[%dma_wait3A_201, %dma_wait3A_211, %dma_wait3A_212] : memref<4x128x128xf32, #tpu.memory_space<vmem>> -> memref<1x128x128xf32, #tpu.memory_space<vmem>>
        %dma_wait3A_214 = tpu.memref_squeeze %dma_wait3A_213 : memref<1x128x128xf32, #tpu.memory_space<vmem>> -> memref<128x128xf32, #tpu.memory_space<vmem>>
        %dma_wait3A_215 = arith.constant 0 : i32
        %dma_wait3A_216 = tpu.memref_slice %arg2[%mul3A_200, %dma_wait3A_215] : memref<320000x128xf32, #tpu.memory_space<hbm>> -> memref<128x128xf32, #tpu.memory_space<hbm>>
        tpu.wait_dma2 semaphore(%dma_wait3A_210 : memref<!tpu.dma_semaphore, #tpu.memory_space<semaphore_mem>>) src(%dma_wait3A_216 : memref<128x128xf32, #tpu.memory_space<hbm>>) dst(%dma_wait3A_214 : memref<128x128xf32, #tpu.memory_space<vmem>>)
        %run_scoped3A_217 = arith.constant 0 : i32
        "tpu.region"() ({
          %run_scoped3A_218 = tpu.sem_alloc : memref<!tpu.dma_semaphore, #tpu.memory_space<semaphore_mem>>
          %dma_start3A_219 = arith.constant 0 : i32
          %dma_start3A_220 = arith.constant 0 : i32
          %dma_start3A_221 = tpu.memref_slice %arg6[%run_scoped3A_217, %dma_start3A_219, %dma_start3A_220] : memref<4x128x128xf32, #tpu.memory_space<vmem>> -> memref<1x128x128xf32, #tpu.memory_space<vmem>>
          %dma_start3A_222 = tpu.memref_squeeze %dma_start3A_221 : memref<1x128x128xf32, #tpu.memory_space<vmem>> -> memref<128x128xf32, #tpu.memory_space<vmem>>
          %dma_start3A_223 = arith.constant 0 : i32
          %dma_start3A_224 = tpu.memref_slice %arg5[%add3A_118, %dma_start3A_223] : memref<80x128xi32, #tpu.memory_space<vmem>> -> memref<1x128xi32, #tpu.memory_space<vmem>>
          %dma_start3A_225 = tpu.memref_squeeze %dma_start3A_224 : memref<1x128xi32, #tpu.memory_space<vmem>> -> memref<128xi32, #tpu.memory_space<vmem>>
          %dma_start3A_226 = arith.constant 0 : i32
          %dma_start3A_227 = arith.constant 0 : i32
          %dma_start3A_228 = tpu.memref_slice %arg7[%dma_start3A_226, %dma_start3A_227] : memref<4096x128xf32, #tpu.memory_space<vmem_shared>> -> memref<4096x128xf32, #tpu.memory_space<vmem_shared>>
          tpu.enqueue_indirect_dma source(%dma_start3A_222 : memref<128x128xf32, #tpu.memory_space<vmem>>) target(%dma_start3A_228 : memref<4096x128xf32, #tpu.memory_space<vmem_shared>>) offsets(%dma_start3A_225 : memref<128xi32, #tpu.memory_space<vmem>>) semaphore(%run_scoped3A_218 : memref<!tpu.dma_semaphore, #tpu.memory_space<semaphore_mem>>) {add = true}
          %dma_wait3A_229 = arith.constant 0 : i32
          %dma_wait3A_230 = arith.constant 0 : i32
          %dma_wait3A_231 = tpu.memref_slice %arg6[%run_scoped3A_217, %dma_wait3A_229, %dma_wait3A_230] : memref<4x128x128xf32, #tpu.memory_space<vmem>> -> memref<1x128x128xf32, #tpu.memory_space<vmem>>
          %dma_wait3A_232 = tpu.memref_squeeze %dma_wait3A_231 : memref<1x128x128xf32, #tpu.memory_space<vmem>> -> memref<128x128xf32, #tpu.memory_space<vmem>>
          %dma_wait3A_233 = arith.constant 0 : i32
          %dma_wait3A_234 = tpu.memref_slice %arg5[%add3A_118, %dma_wait3A_233] : memref<80x128xi32, #tpu.memory_space<vmem>> -> memref<1x128xi32, #tpu.memory_space<vmem>>
          %dma_wait3A_235 = tpu.memref_squeeze %dma_wait3A_234 : memref<1x128xi32, #tpu.memory_space<vmem>> -> memref<128xi32, #tpu.memory_space<vmem>>
          %dma_wait3A_236 = arith.constant 0 : i32
          %dma_wait3A_237 = arith.constant 0 : i32
          %dma_wait3A_238 = tpu.memref_slice %arg7[%dma_wait3A_236, %dma_wait3A_237] : memref<4096x128xf32, #tpu.memory_space<vmem_shared>> -> memref<4096x128xf32, #tpu.memory_space<vmem_shared>>
          tpu.wait_indirect_dma semaphore(%run_scoped3A_218 : memref<!tpu.dma_semaphore, #tpu.memory_space<semaphore_mem>>) src(%dma_wait3A_232 : memref<128x128xf32, #tpu.memory_space<vmem>>) dst(%dma_wait3A_238 : memref<4096x128xf32, #tpu.memory_space<vmem_shared>>)
          tpu.yield
        }) : () -> ()
      } else {
      }
      %add3A_122 = arith.constant 4 : i32
      %add3A_123 = arith.addi %add3A_118, %add3A_122 : i32
      %add3A_124 = arith.constant 4 : i32
      %add3A_125 = arith.addi %add3A_119, %add3A_124 : i32
      %lt3A_126 = arith.constant 80 : i32
      %lt3A_127 = arith.cmpi slt, %add3A_123, %lt3A_126 : i32
      %lt3A_128 = arith.constant 2500 : i32
      %lt3A_129 = arith.cmpi slt, %add3A_125, %lt3A_128 : i32
      %and3A = arith.andi %lt3A_127, %lt3A_129 : i1
      %convert_element_type3A_130 = arith.extui %and3A : i1 to i32
      %cond3A_131 = arith.constant 0 : i32
      %cond3A_132 = arith.cmpi ne, %convert_element_type3A_130, %cond3A_131 : i32
      scf.if %cond3A_132 {
        %mul3A_199 = arith.constant 128 : i32
        %mul3A_200 = arith.muli %add3A_125, %mul3A_199 : i32
        %dma_start3A_201 = arith.constant 0 : i32
        %dma_start3A_202 = arith.constant 0 : i32
        %dma_start3A_203 = arith.constant 0 : i32
        %dma_start3A_204 = arith.constant 0 : i32
        %dma_start3A_205 = tpu.memref_slice %arg6[%dma_start3A_201, %dma_start3A_203, %dma_start3A_204] : memref<4x128x128xf32, #tpu.memory_space<vmem>> -> memref<1x128x128xf32, #tpu.memory_space<vmem>>
        %dma_start3A_206 = tpu.memref_squeeze %dma_start3A_205 : memref<1x128x128xf32, #tpu.memory_space<vmem>> -> memref<128x128xf32, #tpu.memory_space<vmem>>
        %dma_start3A_207 = arith.constant 0 : i32
        %dma_start3A_208 = tpu.memref_slice %arg2[%mul3A_200, %dma_start3A_207] : memref<320000x128xf32, #tpu.memory_space<hbm>> -> memref<128x128xf32, #tpu.memory_space<hbm>>
        %dma_start3A_209 = tpu.memref_slice %arg8[%dma_start3A_202] : memref<4x!tpu.dma_semaphore, #tpu.memory_space<semaphore_mem>> -> memref<1x!tpu.dma_semaphore, #tpu.memory_space<semaphore_mem>>
        %dma_start3A_210 = tpu.memref_squeeze %dma_start3A_209 : memref<1x!tpu.dma_semaphore, #tpu.memory_space<semaphore_mem>> -> memref<!tpu.dma_semaphore, #tpu.memory_space<semaphore_mem>>
        %dma_start3A_211 = arith.constant 0 : i32
        %dma_start3A_212 = arith.constant 0 : i32
        %dma_start3A_213 = tpu.memref_slice %arg6[%dma_start3A_201, %dma_start3A_211, %dma_start3A_212] : memref<4x128x128xf32, #tpu.memory_space<vmem>> -> memref<1x128x128xf32, #tpu.memory_space<vmem>>
        %dma_start3A_214 = tpu.memref_squeeze %dma_start3A_213 : memref<1x128x128xf32, #tpu.memory_space<vmem>> -> memref<128x128xf32, #tpu.memory_space<vmem>>
        %dma_start3A_215 = arith.constant 0 : i32
        %dma_start3A_216 = tpu.memref_slice %arg2[%mul3A_200, %dma_start3A_215] : memref<320000x128xf32, #tpu.memory_space<hbm>> -> memref<128x128xf32, #tpu.memory_space<hbm>>
        tpu.enqueue_dma source(%dma_start3A_216 : memref<128x128xf32, #tpu.memory_space<hbm>>) target(%dma_start3A_214 : memref<128x128xf32, #tpu.memory_space<vmem>>) target_semaphore(%dma_start3A_210 : memref<!tpu.dma_semaphore, #tpu.memory_space<semaphore_mem>>)
      } else {
      }
      %mul3A_133 = arith.constant 4 : i32
      %mul3A_134 = arith.muli %add3A_114, %mul3A_133 : i32
      %add3A_135 = arith.constant 1 : i32
      %add3A_136 = arith.addi %mul3A_134, %add3A_135 : i32
      %add3A_137 = arith.addi %mul3A_2, %add3A_136 : i32
      %lt3A_138 = arith.constant 2500 : i32
      %lt3A_139 = arith.cmpi slt, %add3A_137, %lt3A_138 : i32
      %convert_element_type3A_140 = arith.extui %lt3A_139 : i1 to i32
      %cond3A_141 = arith.constant 0 : i32
      %cond3A_142 = arith.cmpi ne, %convert_element_type3A_140, %cond3A_141 : i32
      scf.if %cond3A_142 {
        %mul3A_199 = arith.constant 128 : i32
        %mul3A_200 = arith.muli %add3A_137, %mul3A_199 : i32
        %dma_wait3A_201 = arith.constant 1 : i32
        %dma_wait3A_202 = arith.constant 1 : i32
        %dma_wait3A_203 = arith.constant 0 : i32
        %dma_wait3A_204 = arith.constant 0 : i32
        %dma_wait3A_205 = tpu.memref_slice %arg6[%dma_wait3A_201, %dma_wait3A_203, %dma_wait3A_204] : memref<4x128x128xf32, #tpu.memory_space<vmem>> -> memref<1x128x128xf32, #tpu.memory_space<vmem>>
        %dma_wait3A_206 = tpu.memref_squeeze %dma_wait3A_205 : memref<1x128x128xf32, #tpu.memory_space<vmem>> -> memref<128x128xf32, #tpu.memory_space<vmem>>
        %dma_wait3A_207 = arith.constant 0 : i32
        %dma_wait3A_208 = tpu.memref_slice %arg2[%mul3A_200, %dma_wait3A_207] : memref<320000x128xf32, #tpu.memory_space<hbm>> -> memref<128x128xf32, #tpu.memory_space<hbm>>
        %dma_wait3A_209 = tpu.memref_slice %arg8[%dma_wait3A_202] : memref<4x!tpu.dma_semaphore, #tpu.memory_space<semaphore_mem>> -> memref<1x!tpu.dma_semaphore, #tpu.memory_space<semaphore_mem>>
        %dma_wait3A_210 = tpu.memref_squeeze %dma_wait3A_209 : memref<1x!tpu.dma_semaphore, #tpu.memory_space<semaphore_mem>> -> memref<!tpu.dma_semaphore, #tpu.memory_space<semaphore_mem>>
        %dma_wait3A_211 = arith.constant 0 : i32
        %dma_wait3A_212 = arith.constant 0 : i32
        %dma_wait3A_213 = tpu.memref_slice %arg6[%dma_wait3A_201, %dma_wait3A_211, %dma_wait3A_212] : memref<4x128x128xf32, #tpu.memory_space<vmem>> -> memref<1x128x128xf32, #tpu.memory_space<vmem>>
        %dma_wait3A_214 = tpu.memref_squeeze %dma_wait3A_213 : memref<1x128x128xf32, #tpu.memory_space<vmem>> -> memref<128x128xf32, #tpu.memory_space<vmem>>
        %dma_wait3A_215 = arith.constant 0 : i32
        %dma_wait3A_216 = tpu.memref_slice %arg2[%mul3A_200, %dma_wait3A_215] : memref<320000x128xf32, #tpu.memory_space<hbm>> -> memref<128x128xf32, #tpu.memory_space<hbm>>
        tpu.wait_dma2 semaphore(%dma_wait3A_210 : memref<!tpu.dma_semaphore, #tpu.memory_space<semaphore_mem>>) src(%dma_wait3A_216 : memref<128x128xf32, #tpu.memory_space<hbm>>) dst(%dma_wait3A_214 : memref<128x128xf32, #tpu.memory_space<vmem>>)
        %run_scoped3A_217 = arith.constant 1 : i32
        "tpu.region"() ({
          %run_scoped3A_218 = tpu.sem_alloc : memref<!tpu.dma_semaphore, #tpu.memory_space<semaphore_mem>>
          %dma_start3A_219 = arith.constant 0 : i32
          %dma_start3A_220 = arith.constant 0 : i32
          %dma_start3A_221 = tpu.memref_slice %arg6[%run_scoped3A_217, %dma_start3A_219, %dma_start3A_220] : memref<4x128x128xf32, #tpu.memory_space<vmem>> -> memref<1x128x128xf32, #tpu.memory_space<vmem>>
          %dma_start3A_222 = tpu.memref_squeeze %dma_start3A_221 : memref<1x128x128xf32, #tpu.memory_space<vmem>> -> memref<128x128xf32, #tpu.memory_space<vmem>>
          %dma_start3A_223 = arith.constant 0 : i32
          %dma_start3A_224 = tpu.memref_slice %arg5[%add3A_136, %dma_start3A_223] : memref<80x128xi32, #tpu.memory_space<vmem>> -> memref<1x128xi32, #tpu.memory_space<vmem>>
          %dma_start3A_225 = tpu.memref_squeeze %dma_start3A_224 : memref<1x128xi32, #tpu.memory_space<vmem>> -> memref<128xi32, #tpu.memory_space<vmem>>
          %dma_start3A_226 = arith.constant 0 : i32
          %dma_start3A_227 = arith.constant 0 : i32
          %dma_start3A_228 = tpu.memref_slice %arg7[%dma_start3A_226, %dma_start3A_227] : memref<4096x128xf32, #tpu.memory_space<vmem_shared>> -> memref<4096x128xf32, #tpu.memory_space<vmem_shared>>
          tpu.enqueue_indirect_dma source(%dma_start3A_222 : memref<128x128xf32, #tpu.memory_space<vmem>>) target(%dma_start3A_228 : memref<4096x128xf32, #tpu.memory_space<vmem_shared>>) offsets(%dma_start3A_225 : memref<128xi32, #tpu.memory_space<vmem>>) semaphore(%run_scoped3A_218 : memref<!tpu.dma_semaphore, #tpu.memory_space<semaphore_mem>>) {add = true}
          %dma_wait3A_229 = arith.constant 0 : i32
          %dma_wait3A_230 = arith.constant 0 : i32
          %dma_wait3A_231 = tpu.memref_slice %arg6[%run_scoped3A_217, %dma_wait3A_229, %dma_wait3A_230] : memref<4x128x128xf32, #tpu.memory_space<vmem>> -> memref<1x128x128xf32, #tpu.memory_space<vmem>>
          %dma_wait3A_232 = tpu.memref_squeeze %dma_wait3A_231 : memref<1x128x128xf32, #tpu.memory_space<vmem>> -> memref<128x128xf32, #tpu.memory_space<vmem>>
          %dma_wait3A_233 = arith.constant 0 : i32
          %dma_wait3A_234 = tpu.memref_slice %arg5[%add3A_136, %dma_wait3A_233] : memref<80x128xi32, #tpu.memory_space<vmem>> -> memref<1x128xi32, #tpu.memory_space<vmem>>
          %dma_wait3A_235 = tpu.memref_squeeze %dma_wait3A_234 : memref<1x128xi32, #tpu.memory_space<vmem>> -> memref<128xi32, #tpu.memory_space<vmem>>
          %dma_wait3A_236 = arith.constant 0 : i32
          %dma_wait3A_237 = arith.constant 0 : i32
          %dma_wait3A_238 = tpu.memref_slice %arg7[%dma_wait3A_236, %dma_wait3A_237] : memref<4096x128xf32, #tpu.memory_space<vmem_shared>> -> memref<4096x128xf32, #tpu.memory_space<vmem_shared>>
          tpu.wait_indirect_dma semaphore(%run_scoped3A_218 : memref<!tpu.dma_semaphore, #tpu.memory_space<semaphore_mem>>) src(%dma_wait3A_232 : memref<128x128xf32, #tpu.memory_space<vmem>>) dst(%dma_wait3A_238 : memref<4096x128xf32, #tpu.memory_space<vmem_shared>>)
          tpu.yield
        }) : () -> ()
      } else {
      }
      %add3A_143 = arith.constant 4 : i32
      %add3A_144 = arith.addi %add3A_136, %add3A_143 : i32
      %add3A_145 = arith.constant 4 : i32
      %add3A_146 = arith.addi %add3A_137, %add3A_145 : i32
      %lt3A_147 = arith.constant 80 : i32
      %lt3A_148 = arith.cmpi slt, %add3A_144, %lt3A_147 : i32
      %lt3A_149 = arith.constant 2500 : i32
      %lt3A_150 = arith.cmpi slt, %add3A_146, %lt3A_149 : i32
      %and3A_151 = arith.andi %lt3A_148, %lt3A_150 : i1
      %convert_element_type3A_152 = arith.extui %and3A_151 : i1 to i32
      %cond3A_153 = arith.constant 0 : i32
      %cond3A_154 = arith.cmpi ne, %convert_element_type3A_152, %cond3A_153 : i32
      scf.if %cond3A_154 {
        %mul3A_199 = arith.constant 128 : i32
        %mul3A_200 = arith.muli %add3A_146, %mul3A_199 : i32
        %dma_start3A_201 = arith.constant 1 : i32
        %dma_start3A_202 = arith.constant 1 : i32
        %dma_start3A_203 = arith.constant 0 : i32
        %dma_start3A_204 = arith.constant 0 : i32
        %dma_start3A_205 = tpu.memref_slice %arg6[%dma_start3A_201, %dma_start3A_203, %dma_start3A_204] : memref<4x128x128xf32, #tpu.memory_space<vmem>> -> memref<1x128x128xf32, #tpu.memory_space<vmem>>
        %dma_start3A_206 = tpu.memref_squeeze %dma_start3A_205 : memref<1x128x128xf32, #tpu.memory_space<vmem>> -> memref<128x128xf32, #tpu.memory_space<vmem>>
        %dma_start3A_207 = arith.constant 0 : i32
        %dma_start3A_208 = tpu.memref_slice %arg2[%mul3A_200, %dma_start3A_207] : memref<320000x128xf32, #tpu.memory_space<hbm>> -> memref<128x128xf32, #tpu.memory_space<hbm>>
        %dma_start3A_209 = tpu.memref_slice %arg8[%dma_start3A_202] : memref<4x!tpu.dma_semaphore, #tpu.memory_space<semaphore_mem>> -> memref<1x!tpu.dma_semaphore, #tpu.memory_space<semaphore_mem>>
        %dma_start3A_210 = tpu.memref_squeeze %dma_start3A_209 : memref<1x!tpu.dma_semaphore, #tpu.memory_space<semaphore_mem>> -> memref<!tpu.dma_semaphore, #tpu.memory_space<semaphore_mem>>
        %dma_start3A_211 = arith.constant 0 : i32
        %dma_start3A_212 = arith.constant 0 : i32
        %dma_start3A_213 = tpu.memref_slice %arg6[%dma_start3A_201, %dma_start3A_211, %dma_start3A_212] : memref<4x128x128xf32, #tpu.memory_space<vmem>> -> memref<1x128x128xf32, #tpu.memory_space<vmem>>
        %dma_start3A_214 = tpu.memref_squeeze %dma_start3A_213 : memref<1x128x128xf32, #tpu.memory_space<vmem>> -> memref<128x128xf32, #tpu.memory_space<vmem>>
        %dma_start3A_215 = arith.constant 0 : i32
        %dma_start3A_216 = tpu.memref_slice %arg2[%mul3A_200, %dma_start3A_215] : memref<320000x128xf32, #tpu.memory_space<hbm>> -> memref<128x128xf32, #tpu.memory_space<hbm>>
        tpu.enqueue_dma source(%dma_start3A_216 : memref<128x128xf32, #tpu.memory_space<hbm>>) target(%dma_start3A_214 : memref<128x128xf32, #tpu.memory_space<vmem>>) target_semaphore(%dma_start3A_210 : memref<!tpu.dma_semaphore, #tpu.memory_space<semaphore_mem>>)
      } else {
      }
      %mul3A_155 = arith.constant 4 : i32
      %mul3A_156 = arith.muli %add3A_114, %mul3A_155 : i32
      %add3A_157 = arith.constant 2 : i32
      %add3A_158 = arith.addi %mul3A_156, %add3A_157 : i32
      %add3A_159 = arith.addi %mul3A_2, %add3A_158 : i32
      %lt3A_160 = arith.constant 2500 : i32
      %lt3A_161 = arith.cmpi slt, %add3A_159, %lt3A_160 : i32
      %convert_element_type3A_162 = arith.extui %lt3A_161 : i1 to i32
      %cond3A_163 = arith.constant 0 : i32
      %cond3A_164 = arith.cmpi ne, %convert_element_type3A_162, %cond3A_163 : i32
      scf.if %cond3A_164 {
        %mul3A_199 = arith.constant 128 : i32
        %mul3A_200 = arith.muli %add3A_159, %mul3A_199 : i32
        %dma_wait3A_201 = arith.constant 2 : i32
        %dma_wait3A_202 = arith.constant 2 : i32
        %dma_wait3A_203 = arith.constant 0 : i32
        %dma_wait3A_204 = arith.constant 0 : i32
        %dma_wait3A_205 = tpu.memref_slice %arg6[%dma_wait3A_201, %dma_wait3A_203, %dma_wait3A_204] : memref<4x128x128xf32, #tpu.memory_space<vmem>> -> memref<1x128x128xf32, #tpu.memory_space<vmem>>
        %dma_wait3A_206 = tpu.memref_squeeze %dma_wait3A_205 : memref<1x128x128xf32, #tpu.memory_space<vmem>> -> memref<128x128xf32, #tpu.memory_space<vmem>>
        %dma_wait3A_207 = arith.constant 0 : i32
        %dma_wait3A_208 = tpu.memref_slice %arg2[%mul3A_200, %dma_wait3A_207] : memref<320000x128xf32, #tpu.memory_space<hbm>> -> memref<128x128xf32, #tpu.memory_space<hbm>>
        %dma_wait3A_209 = tpu.memref_slice %arg8[%dma_wait3A_202] : memref<4x!tpu.dma_semaphore, #tpu.memory_space<semaphore_mem>> -> memref<1x!tpu.dma_semaphore, #tpu.memory_space<semaphore_mem>>
        %dma_wait3A_210 = tpu.memref_squeeze %dma_wait3A_209 : memref<1x!tpu.dma_semaphore, #tpu.memory_space<semaphore_mem>> -> memref<!tpu.dma_semaphore, #tpu.memory_space<semaphore_mem>>
        %dma_wait3A_211 = arith.constant 0 : i32
        %dma_wait3A_212 = arith.constant 0 : i32
        %dma_wait3A_213 = tpu.memref_slice %arg6[%dma_wait3A_201, %dma_wait3A_211, %dma_wait3A_212] : memref<4x128x128xf32, #tpu.memory_space<vmem>> -> memref<1x128x128xf32, #tpu.memory_space<vmem>>
        %dma_wait3A_214 = tpu.memref_squeeze %dma_wait3A_213 : memref<1x128x128xf32, #tpu.memory_space<vmem>> -> memref<128x128xf32, #tpu.memory_space<vmem>>
        %dma_wait3A_215 = arith.constant 0 : i32
        %dma_wait3A_216 = tpu.memref_slice %arg2[%mul3A_200, %dma_wait3A_215] : memref<320000x128xf32, #tpu.memory_space<hbm>> -> memref<128x128xf32, #tpu.memory_space<hbm>>
        tpu.wait_dma2 semaphore(%dma_wait3A_210 : memref<!tpu.dma_semaphore, #tpu.memory_space<semaphore_mem>>) src(%dma_wait3A_216 : memref<128x128xf32, #tpu.memory_space<hbm>>) dst(%dma_wait3A_214 : memref<128x128xf32, #tpu.memory_space<vmem>>)
        %run_scoped3A_217 = arith.constant 2 : i32
        "tpu.region"() ({
          %run_scoped3A_218 = tpu.sem_alloc : memref<!tpu.dma_semaphore, #tpu.memory_space<semaphore_mem>>
          %dma_start3A_219 = arith.constant 0 : i32
          %dma_start3A_220 = arith.constant 0 : i32
          %dma_start3A_221 = tpu.memref_slice %arg6[%run_scoped3A_217, %dma_start3A_219, %dma_start3A_220] : memref<4x128x128xf32, #tpu.memory_space<vmem>> -> memref<1x128x128xf32, #tpu.memory_space<vmem>>
          %dma_start3A_222 = tpu.memref_squeeze %dma_start3A_221 : memref<1x128x128xf32, #tpu.memory_space<vmem>> -> memref<128x128xf32, #tpu.memory_space<vmem>>
          %dma_start3A_223 = arith.constant 0 : i32
          %dma_start3A_224 = tpu.memref_slice %arg5[%add3A_158, %dma_start3A_223] : memref<80x128xi32, #tpu.memory_space<vmem>> -> memref<1x128xi32, #tpu.memory_space<vmem>>
          %dma_start3A_225 = tpu.memref_squeeze %dma_start3A_224 : memref<1x128xi32, #tpu.memory_space<vmem>> -> memref<128xi32, #tpu.memory_space<vmem>>
          %dma_start3A_226 = arith.constant 0 : i32
          %dma_start3A_227 = arith.constant 0 : i32
          %dma_start3A_228 = tpu.memref_slice %arg7[%dma_start3A_226, %dma_start3A_227] : memref<4096x128xf32, #tpu.memory_space<vmem_shared>> -> memref<4096x128xf32, #tpu.memory_space<vmem_shared>>
          tpu.enqueue_indirect_dma source(%dma_start3A_222 : memref<128x128xf32, #tpu.memory_space<vmem>>) target(%dma_start3A_228 : memref<4096x128xf32, #tpu.memory_space<vmem_shared>>) offsets(%dma_start3A_225 : memref<128xi32, #tpu.memory_space<vmem>>) semaphore(%run_scoped3A_218 : memref<!tpu.dma_semaphore, #tpu.memory_space<semaphore_mem>>) {add = true}
          %dma_wait3A_229 = arith.constant 0 : i32
          %dma_wait3A_230 = arith.constant 0 : i32
          %dma_wait3A_231 = tpu.memref_slice %arg6[%run_scoped3A_217, %dma_wait3A_229, %dma_wait3A_230] : memref<4x128x128xf32, #tpu.memory_space<vmem>> -> memref<1x128x128xf32, #tpu.memory_space<vmem>>
          %dma_wait3A_232 = tpu.memref_squeeze %dma_wait3A_231 : memref<1x128x128xf32, #tpu.memory_space<vmem>> -> memref<128x128xf32, #tpu.memory_space<vmem>>
          %dma_wait3A_233 = arith.constant 0 : i32
          %dma_wait3A_234 = tpu.memref_slice %arg5[%add3A_158, %dma_wait3A_233] : memref<80x128xi32, #tpu.memory_space<vmem>> -> memref<1x128xi32, #tpu.memory_space<vmem>>
          %dma_wait3A_235 = tpu.memref_squeeze %dma_wait3A_234 : memref<1x128xi32, #tpu.memory_space<vmem>> -> memref<128xi32, #tpu.memory_space<vmem>>
          %dma_wait3A_236 = arith.constant 0 : i32
          %dma_wait3A_237 = arith.constant 0 : i32
          %dma_wait3A_238 = tpu.memref_slice %arg7[%dma_wait3A_236, %dma_wait3A_237] : memref<4096x128xf32, #tpu.memory_space<vmem_shared>> -> memref<4096x128xf32, #tpu.memory_space<vmem_shared>>
          tpu.wait_indirect_dma semaphore(%run_scoped3A_218 : memref<!tpu.dma_semaphore, #tpu.memory_space<semaphore_mem>>) src(%dma_wait3A_232 : memref<128x128xf32, #tpu.memory_space<vmem>>) dst(%dma_wait3A_238 : memref<4096x128xf32, #tpu.memory_space<vmem_shared>>)
          tpu.yield
        }) : () -> ()
      } else {
      }
      %add3A_165 = arith.constant 4 : i32
      %add3A_166 = arith.addi %add3A_158, %add3A_165 : i32
      %add3A_167 = arith.constant 4 : i32
      %add3A_168 = arith.addi %add3A_159, %add3A_167 : i32
      %lt3A_169 = arith.constant 80 : i32
      %lt3A_170 = arith.cmpi slt, %add3A_166, %lt3A_169 : i32
      %lt3A_171 = arith.constant 2500 : i32
      %lt3A_172 = arith.cmpi slt, %add3A_168, %lt3A_171 : i32
      %and3A_173 = arith.andi %lt3A_170, %lt3A_172 : i1
      %convert_element_type3A_174 = arith.extui %and3A_173 : i1 to i32
      %cond3A_175 = arith.constant 0 : i32
      %cond3A_176 = arith.cmpi ne, %convert_element_type3A_174, %cond3A_175 : i32
      scf.if %cond3A_176 {
        %mul3A_199 = arith.constant 128 : i32
        %mul3A_200 = arith.muli %add3A_168, %mul3A_199 : i32
        %dma_start3A_201 = arith.constant 2 : i32
        %dma_start3A_202 = arith.constant 2 : i32
        %dma_start3A_203 = arith.constant 0 : i32
        %dma_start3A_204 = arith.constant 0 : i32
        %dma_start3A_205 = tpu.memref_slice %arg6[%dma_start3A_201, %dma_start3A_203, %dma_start3A_204] : memref<4x128x128xf32, #tpu.memory_space<vmem>> -> memref<1x128x128xf32, #tpu.memory_space<vmem>>
        %dma_start3A_206 = tpu.memref_squeeze %dma_start3A_205 : memref<1x128x128xf32, #tpu.memory_space<vmem>> -> memref<128x128xf32, #tpu.memory_space<vmem>>
        %dma_start3A_207 = arith.constant 0 : i32
        %dma_start3A_208 = tpu.memref_slice %arg2[%mul3A_200, %dma_start3A_207] : memref<320000x128xf32, #tpu.memory_space<hbm>> -> memref<128x128xf32, #tpu.memory_space<hbm>>
        %dma_start3A_209 = tpu.memref_slice %arg8[%dma_start3A_202] : memref<4x!tpu.dma_semaphore, #tpu.memory_space<semaphore_mem>> -> memref<1x!tpu.dma_semaphore, #tpu.memory_space<semaphore_mem>>
        %dma_start3A_210 = tpu.memref_squeeze %dma_start3A_209 : memref<1x!tpu.dma_semaphore, #tpu.memory_space<semaphore_mem>> -> memref<!tpu.dma_semaphore, #tpu.memory_space<semaphore_mem>>
        %dma_start3A_211 = arith.constant 0 : i32
        %dma_start3A_212 = arith.constant 0 : i32
        %dma_start3A_213 = tpu.memref_slice %arg6[%dma_start3A_201, %dma_start3A_211, %dma_start3A_212] : memref<4x128x128xf32, #tpu.memory_space<vmem>> -> memref<1x128x128xf32, #tpu.memory_space<vmem>>
        %dma_start3A_214 = tpu.memref_squeeze %dma_start3A_213 : memref<1x128x128xf32, #tpu.memory_space<vmem>> -> memref<128x128xf32, #tpu.memory_space<vmem>>
        %dma_start3A_215 = arith.constant 0 : i32
        %dma_start3A_216 = tpu.memref_slice %arg2[%mul3A_200, %dma_start3A_215] : memref<320000x128xf32, #tpu.memory_space<hbm>> -> memref<128x128xf32, #tpu.memory_space<hbm>>
        tpu.enqueue_dma source(%dma_start3A_216 : memref<128x128xf32, #tpu.memory_space<hbm>>) target(%dma_start3A_214 : memref<128x128xf32, #tpu.memory_space<vmem>>) target_semaphore(%dma_start3A_210 : memref<!tpu.dma_semaphore, #tpu.memory_space<semaphore_mem>>)
      } else {
      }
      %mul3A_177 = arith.constant 4 : i32
      %mul3A_178 = arith.muli %add3A_114, %mul3A_177 : i32
      %add3A_179 = arith.constant 3 : i32
      %add3A_180 = arith.addi %mul3A_178, %add3A_179 : i32
      %add3A_181 = arith.addi %mul3A_2, %add3A_180 : i32
      %lt3A_182 = arith.constant 2500 : i32
      %lt3A_183 = arith.cmpi slt, %add3A_181, %lt3A_182 : i32
      %convert_element_type3A_184 = arith.extui %lt3A_183 : i1 to i32
      %cond3A_185 = arith.constant 0 : i32
      %cond3A_186 = arith.cmpi ne, %convert_element_type3A_184, %cond3A_185 : i32
      scf.if %cond3A_186 {
        %mul3A_199 = arith.constant 128 : i32
        %mul3A_200 = arith.muli %add3A_181, %mul3A_199 : i32
        %dma_wait3A_201 = arith.constant 3 : i32
        %dma_wait3A_202 = arith.constant 3 : i32
        %dma_wait3A_203 = arith.constant 0 : i32
        %dma_wait3A_204 = arith.constant 0 : i32
        %dma_wait3A_205 = tpu.memref_slice %arg6[%dma_wait3A_201, %dma_wait3A_203, %dma_wait3A_204] : memref<4x128x128xf32, #tpu.memory_space<vmem>> -> memref<1x128x128xf32, #tpu.memory_space<vmem>>
        %dma_wait3A_206 = tpu.memref_squeeze %dma_wait3A_205 : memref<1x128x128xf32, #tpu.memory_space<vmem>> -> memref<128x128xf32, #tpu.memory_space<vmem>>
        %dma_wait3A_207 = arith.constant 0 : i32
        %dma_wait3A_208 = tpu.memref_slice %arg2[%mul3A_200, %dma_wait3A_207] : memref<320000x128xf32, #tpu.memory_space<hbm>> -> memref<128x128xf32, #tpu.memory_space<hbm>>
        %dma_wait3A_209 = tpu.memref_slice %arg8[%dma_wait3A_202] : memref<4x!tpu.dma_semaphore, #tpu.memory_space<semaphore_mem>> -> memref<1x!tpu.dma_semaphore, #tpu.memory_space<semaphore_mem>>
        %dma_wait3A_210 = tpu.memref_squeeze %dma_wait3A_209 : memref<1x!tpu.dma_semaphore, #tpu.memory_space<semaphore_mem>> -> memref<!tpu.dma_semaphore, #tpu.memory_space<semaphore_mem>>
        %dma_wait3A_211 = arith.constant 0 : i32
        %dma_wait3A_212 = arith.constant 0 : i32
        %dma_wait3A_213 = tpu.memref_slice %arg6[%dma_wait3A_201, %dma_wait3A_211, %dma_wait3A_212] : memref<4x128x128xf32, #tpu.memory_space<vmem>> -> memref<1x128x128xf32, #tpu.memory_space<vmem>>
        %dma_wait3A_214 = tpu.memref_squeeze %dma_wait3A_213 : memref<1x128x128xf32, #tpu.memory_space<vmem>> -> memref<128x128xf32, #tpu.memory_space<vmem>>
        %dma_wait3A_215 = arith.constant 0 : i32
        %dma_wait3A_216 = tpu.memref_slice %arg2[%mul3A_200, %dma_wait3A_215] : memref<320000x128xf32, #tpu.memory_space<hbm>> -> memref<128x128xf32, #tpu.memory_space<hbm>>
        tpu.wait_dma2 semaphore(%dma_wait3A_210 : memref<!tpu.dma_semaphore, #tpu.memory_space<semaphore_mem>>) src(%dma_wait3A_216 : memref<128x128xf32, #tpu.memory_space<hbm>>) dst(%dma_wait3A_214 : memref<128x128xf32, #tpu.memory_space<vmem>>)
        %run_scoped3A_217 = arith.constant 3 : i32
        "tpu.region"() ({
          %run_scoped3A_218 = tpu.sem_alloc : memref<!tpu.dma_semaphore, #tpu.memory_space<semaphore_mem>>
          %dma_start3A_219 = arith.constant 0 : i32
          %dma_start3A_220 = arith.constant 0 : i32
          %dma_start3A_221 = tpu.memref_slice %arg6[%run_scoped3A_217, %dma_start3A_219, %dma_start3A_220] : memref<4x128x128xf32, #tpu.memory_space<vmem>> -> memref<1x128x128xf32, #tpu.memory_space<vmem>>
          %dma_start3A_222 = tpu.memref_squeeze %dma_start3A_221 : memref<1x128x128xf32, #tpu.memory_space<vmem>> -> memref<128x128xf32, #tpu.memory_space<vmem>>
          %dma_start3A_223 = arith.constant 0 : i32
          %dma_start3A_224 = tpu.memref_slice %arg5[%add3A_180, %dma_start3A_223] : memref<80x128xi32, #tpu.memory_space<vmem>> -> memref<1x128xi32, #tpu.memory_space<vmem>>
          %dma_start3A_225 = tpu.memref_squeeze %dma_start3A_224 : memref<1x128xi32, #tpu.memory_space<vmem>> -> memref<128xi32, #tpu.memory_space<vmem>>
          %dma_start3A_226 = arith.constant 0 : i32
          %dma_start3A_227 = arith.constant 0 : i32
          %dma_start3A_228 = tpu.memref_slice %arg7[%dma_start3A_226, %dma_start3A_227] : memref<4096x128xf32, #tpu.memory_space<vmem_shared>> -> memref<4096x128xf32, #tpu.memory_space<vmem_shared>>
          tpu.enqueue_indirect_dma source(%dma_start3A_222 : memref<128x128xf32, #tpu.memory_space<vmem>>) target(%dma_start3A_228 : memref<4096x128xf32, #tpu.memory_space<vmem_shared>>) offsets(%dma_start3A_225 : memref<128xi32, #tpu.memory_space<vmem>>) semaphore(%run_scoped3A_218 : memref<!tpu.dma_semaphore, #tpu.memory_space<semaphore_mem>>) {add = true}
          %dma_wait3A_229 = arith.constant 0 : i32
          %dma_wait3A_230 = arith.constant 0 : i32
          %dma_wait3A_231 = tpu.memref_slice %arg6[%run_scoped3A_217, %dma_wait3A_229, %dma_wait3A_230] : memref<4x128x128xf32, #tpu.memory_space<vmem>> -> memref<1x128x128xf32, #tpu.memory_space<vmem>>
          %dma_wait3A_232 = tpu.memref_squeeze %dma_wait3A_231 : memref<1x128x128xf32, #tpu.memory_space<vmem>> -> memref<128x128xf32, #tpu.memory_space<vmem>>
          %dma_wait3A_233 = arith.constant 0 : i32
          %dma_wait3A_234 = tpu.memref_slice %arg5[%add3A_180, %dma_wait3A_233] : memref<80x128xi32, #tpu.memory_space<vmem>> -> memref<1x128xi32, #tpu.memory_space<vmem>>
          %dma_wait3A_235 = tpu.memref_squeeze %dma_wait3A_234 : memref<1x128xi32, #tpu.memory_space<vmem>> -> memref<128xi32, #tpu.memory_space<vmem>>
          %dma_wait3A_236 = arith.constant 0 : i32
          %dma_wait3A_237 = arith.constant 0 : i32
          %dma_wait3A_238 = tpu.memref_slice %arg7[%dma_wait3A_236, %dma_wait3A_237] : memref<4096x128xf32, #tpu.memory_space<vmem_shared>> -> memref<4096x128xf32, #tpu.memory_space<vmem_shared>>
          tpu.wait_indirect_dma semaphore(%run_scoped3A_218 : memref<!tpu.dma_semaphore, #tpu.memory_space<semaphore_mem>>) src(%dma_wait3A_232 : memref<128x128xf32, #tpu.memory_space<vmem>>) dst(%dma_wait3A_238 : memref<4096x128xf32, #tpu.memory_space<vmem_shared>>)
          tpu.yield
        }) : () -> ()
      } else {
      }
      %add3A_187 = arith.constant 4 : i32
      %add3A_188 = arith.addi %add3A_180, %add3A_187 : i32
      %add3A_189 = arith.constant 4 : i32
      %add3A_190 = arith.addi %add3A_181, %add3A_189 : i32
      %lt3A_191 = arith.constant 80 : i32
      %lt3A_192 = arith.cmpi slt, %add3A_188, %lt3A_191 : i32
      %lt3A_193 = arith.constant 2500 : i32
      %lt3A_194 = arith.cmpi slt, %add3A_190, %lt3A_193 : i32
      %and3A_195 = arith.andi %lt3A_192, %lt3A_194 : i1
      %convert_element_type3A_196 = arith.extui %and3A_195 : i1 to i32
      %cond3A_197 = arith.constant 0 : i32
      %cond3A_198 = arith.cmpi ne, %convert_element_type3A_196, %cond3A_197 : i32
      scf.if %cond3A_198 {
        %mul3A_199 = arith.constant 128 : i32
        %mul3A_200 = arith.muli %add3A_190, %mul3A_199 : i32
        %dma_start3A_201 = arith.constant 3 : i32
        %dma_start3A_202 = arith.constant 3 : i32
        %dma_start3A_203 = arith.constant 0 : i32
        %dma_start3A_204 = arith.constant 0 : i32
        %dma_start3A_205 = tpu.memref_slice %arg6[%dma_start3A_201, %dma_start3A_203, %dma_start3A_204] : memref<4x128x128xf32, #tpu.memory_space<vmem>> -> memref<1x128x128xf32, #tpu.memory_space<vmem>>
        %dma_start3A_206 = tpu.memref_squeeze %dma_start3A_205 : memref<1x128x128xf32, #tpu.memory_space<vmem>> -> memref<128x128xf32, #tpu.memory_space<vmem>>
        %dma_start3A_207 = arith.constant 0 : i32
        %dma_start3A_208 = tpu.memref_slice %arg2[%mul3A_200, %dma_start3A_207] : memref<320000x128xf32, #tpu.memory_space<hbm>> -> memref<128x128xf32, #tpu.memory_space<hbm>>
        %dma_start3A_209 = tpu.memref_slice %arg8[%dma_start3A_202] : memref<4x!tpu.dma_semaphore, #tpu.memory_space<semaphore_mem>> -> memref<1x!tpu.dma_semaphore, #tpu.memory_space<semaphore_mem>>
        %dma_start3A_210 = tpu.memref_squeeze %dma_start3A_209 : memref<1x!tpu.dma_semaphore, #tpu.memory_space<semaphore_mem>> -> memref<!tpu.dma_semaphore, #tpu.memory_space<semaphore_mem>>
        %dma_start3A_211 = arith.constant 0 : i32
        %dma_start3A_212 = arith.constant 0 : i32
        %dma_start3A_213 = tpu.memref_slice %arg6[%dma_start3A_201, %dma_start3A_211, %dma_start3A_212] : memref<4x128x128xf32, #tpu.memory_space<vmem>> -> memref<1x128x128xf32, #tpu.memory_space<vmem>>
        %dma_start3A_214 = tpu.memref_squeeze %dma_start3A_213 : memref<1x128x128xf32, #tpu.memory_space<vmem>> -> memref<128x128xf32, #tpu.memory_space<vmem>>
        %dma_start3A_215 = arith.constant 0 : i32
        %dma_start3A_216 = tpu.memref_slice %arg2[%mul3A_200, %dma_start3A_215] : memref<320000x128xf32, #tpu.memory_space<hbm>> -> memref<128x128xf32, #tpu.memory_space<hbm>>
        tpu.enqueue_dma source(%dma_start3A_216 : memref<128x128xf32, #tpu.memory_space<hbm>>) target(%dma_start3A_214 : memref<128x128xf32, #tpu.memory_space<vmem>>) target_semaphore(%dma_start3A_210 : memref<!tpu.dma_semaphore, #tpu.memory_space<semaphore_mem>>)
      } else {
      }
    }
    %scan3A_104 = arith.constant 20 : i32
    %barrier3A_105 = arith.constant 0 : index
    tpu.barrier barrier_id(%barrier3A_105)
    %mul3A_106 = arith.constant 256 : i32
    %mul3A_107 = arith.muli %arg1, %mul3A_106 : i32
    %mul3A_108 = arith.constant 256 : i32
    %mul3A_109 = arith.muli %arg1, %mul3A_108 : i32
    "tpu.region"() ({
      %run_scoped3A_110 = tpu.sem_alloc : memref<!tpu.dma_semaphore, #tpu.memory_space<semaphore_mem>>
      %dma_start3A_111 = arith.constant 0 : i32
      %dma_start3A_112 = tpu.memref_slice %arg4[%arg0, %mul3A_109, %dma_start3A_111] : memref<2x4096x128xf32, #tpu.memory_space<hbm>> -> memref<1x256x128xf32, #tpu.memory_space<hbm>>
      %dma_start3A_113 = tpu.memref_squeeze %dma_start3A_112 : memref<1x256x128xf32, #tpu.memory_space<hbm>> -> memref<256x128xf32, #tpu.memory_space<hbm>>
      %dma_start3A_114 = arith.constant 0 : i32
      %dma_start3A_115 = tpu.memref_slice %arg7[%mul3A_107, %dma_start3A_114] : memref<4096x128xf32, #tpu.memory_space<vmem_shared>> -> memref<256x128xf32, #tpu.memory_space<vmem_shared>>
      tpu.enqueue_dma source(%dma_start3A_115 : memref<256x128xf32, #tpu.memory_space<vmem_shared>>) target(%dma_start3A_113 : memref<256x128xf32, #tpu.memory_space<hbm>>) target_semaphore(%run_scoped3A_110 : memref<!tpu.dma_semaphore, #tpu.memory_space<semaphore_mem>>)
      %dma_wait3A_116 = arith.constant 0 : i32
      %dma_wait3A_117 = tpu.memref_slice %arg4[%arg0, %mul3A_109, %dma_wait3A_116] : memref<2x4096x128xf32, #tpu.memory_space<hbm>> -> memref<1x256x128xf32, #tpu.memory_space<hbm>>
      %dma_wait3A_118 = tpu.memref_squeeze %dma_wait3A_117 : memref<1x256x128xf32, #tpu.memory_space<hbm>> -> memref<256x128xf32, #tpu.memory_space<hbm>>
      %dma_wait3A_119 = arith.constant 0 : i32
      %dma_wait3A_120 = tpu.memref_slice %arg7[%mul3A_107, %dma_wait3A_119] : memref<4096x128xf32, #tpu.memory_space<vmem_shared>> -> memref<256x128xf32, #tpu.memory_space<vmem_shared>>
      tpu.wait_dma2 semaphore(%run_scoped3A_110 : memref<!tpu.dma_semaphore, #tpu.memory_space<semaphore_mem>>) src(%dma_wait3A_120 : memref<256x128xf32, #tpu.memory_space<vmem_shared>>) dst(%dma_wait3A_118 : memref<256x128xf32, #tpu.memory_space<hbm>>)
      tpu.yield
    }) : () -> ()
    return
  }
}

module attributes {stable_mosaic.version = 14 : i64} {
  func.func @_add_body(%arg0: memref<2x4096x128xf32, #tpu.memory_space<vmem>>, %arg1: memref<4096x128xf32, #tpu.memory_space<vmem>>) attributes {dimension_semantics = [], scalar_prefetch = 0 : i64, scratch_operands = 0 : i64, tpu.core_type = #tpu.core_type<tc>} {
    %get3A = arith.constant 0 : index
    %get3A_0 = arith.constant 0 : index
    %get3A_1 = arith.constant 0 : index
    %get3A_2 = vector.load %arg0[%get3A, %get3A_0, %get3A_1] : memref<2x4096x128xf32, #tpu.memory_space<vmem>>, vector<1x4096x128xf32>
    %get3A_3 = vector.shape_cast %get3A_2 : vector<1x4096x128xf32> to vector<4096x128xf32>
    %get3A_4 = arith.constant 1 : index
    %get3A_5 = arith.constant 0 : index
    %get3A_6 = arith.constant 0 : index
    %get3A_7 = vector.load %arg0[%get3A_4, %get3A_5, %get3A_6] : memref<2x4096x128xf32, #tpu.memory_space<vmem>>, vector<1x4096x128xf32>
    %get3A_8 = vector.shape_cast %get3A_7 : vector<1x4096x128xf32> to vector<4096x128xf32>
    %add3A = arith.addf %get3A_3, %get3A_8 : vector<4096x128xf32>
    %swap3A = arith.constant 0 : index
    %swap3A_9 = arith.constant 0 : index
    %swap3A_10 = vector.load %arg1[%swap3A, %swap3A_9] : memref<4096x128xf32, #tpu.memory_space<vmem>>, vector<4096x128xf32>
    tpu.vector_store %arg1[%swap3A, %swap3A_9], %add3A {strides = array<i32>} : memref<4096x128xf32, #tpu.memory_space<vmem>>, vector<4096x128xf32>,
    return
  }
}

</mosaic_0001>

<sc_bundles>
// kernel: kernel.4.cloned.1.call-start
scs
__scs_entry_jumppad:
0x0: {  	(pc) =	sbr.rel $0x88, $3  }
0x1: {  	(tag) =	ssettag $0x0;
	lr =	simm.s32 $0x1  }
0x2: {  	[smem:$0x3F9F] =	sst lr;
	_ =	strace $0xD0000000  }
0x3: {  	_ = 	snop  }
0x4: {  	_ = 	snop  }
0x5: {  	_ = 	snop  }
0x6: {  	_ = 	snop  }
0x7: {  	_ = 	snop  }
__scs_overlays_trampoline_lowered:
0x8: {  	[smem:$0x3FAE] =	sst s0  }
0x9: {  	[smem:$0x3FAF] =	sst s1  }
0xa: {  	[smem:$0x3FB0] =	sst s2  }
0xb: {  	[smem:$0x3FB1] =	sst s3  }
0xc: {  	[smem:$0x3FB2] =	sst s4  }
0xd: {  	[smem:$0x3FB3] =	sst s5  }
0xe: {  	[smem:$0x3FB4] =	sst s6  }
0xf: {  	[smem:$0x3FB5] =	sst s7  }
0x10: {  	[smem:$0x3FB6] =	sst s8  }
0x11: {  	[smem:$0x3FB7] =	sst s9;
	s0 =	simm.s32 @!p0 $0x0  }
0x12: {  	s1 =	sld [smem:$0x3F9D];
	s0 =	simm.s32 @p0 $0x1  }
0x13: {  	[smem:$0x3FB8] =	sst s0;
	s0 =	simm.s32 @!p1 $0x0  }
0x14: {  	s2 =	sld [smem:$0x3F9C];
	s0 =	simm.s32 @p1 $0x1  }
0x15: {  	[smem:$0x3FB9] =	sst s0;
	s0 =	simm.s32 @!p2 $0x0  }
0x16: {  	s3 =	sld [smem:$0x3FDB];
	s0 =	simm.s32 @p2 $0x1  }
0x17: {  	s4 =	simm.s32 $0x1BF5;
	[smem:$0x3FBB] =	sst s0  }
0x18: {  	s0 =	sld [smem:$0x3F9E];
	_ =	swait.ge [sflag:s4], $0x0  }
0x19: {  	s7 =	sld [smem:$0x3F9F]  }
0x1a: {  	s8 =	sadd.s32 $0xFFFFE003, lr  }
0x1b: {  	s9 =	sadd.s32 $0xFFFFFEF7, lr;
	s5 =	simm.s32 $0xFFFFFFFF;
	p2 =	slt.u32 s8, $0xFFFFF086  }
0x1c: {  	p1 =	slt.u32 s9, $0xF7A;
	s5 =	simm.s32 @!p2 $0x0  }
0x1d: {  	s5 =	simm.s32 @p1 $0x1;
	p0 =	seq.s32 s7, s2  }
0x1e: {  	s7 =	smul.u32 @!p0 $0xF7A, s2;
	p2 =	seq.s32 @!p0 s5, $0x0  }
0x1f: {  	s9 =	smul.u32 $0xF7A, s1;
	s8 =	simm.s32 @!p0 $0x1BF5;
	p2 =	por !p2, p0  }
0x20: {  	[sflag:s8] =	ssyncset.s32 @!p0 $0xFFFFF086;
	s6 =	sadd.s32 @!p0 s3, s7;
	s7 =	simm.s32 @!p0 $0x108  }
0x21: {  	s3 =	sadd.s32 s3, s9;
	s6 =	sadd.s32 @!p0 $0x88, s6;
	s7 =	simm.s32 @p2 $0x1082  }
0x22: {  	[simem:s7], [sflag:s8] =	dma.local @!p0 [hbm:s6], $0xF7A  }
0x23: {  	s9 =	sor.u32 $0xD0000000, s2;
	s6 =	simm.s32 $0x108;
	_ =	swait.ge @!p0 [sflag:s8], $0x0  }
0x24: {  	s3 =	sadd.s32 $0x88, s3;
	s6 =	simm.s32 @!p1 $0x1082;
	[sflag:s4] =	ssyncset.s32 $0xFFFFF086  }
0x25: {  	[simem:s6], [sflag:s4] =	dma.local [hbm:s3], $0xF7A  }
0x26: {  	[smem:$0x3F9F] =	sst s1;
	(tag) =	ssettag s2;
	_ =	strace s9  }
0x27: {  	s1 =	sld [smem:$0x3FAF]  }
0x28: {  	s2 =	sld [smem:$0x3FB0]  }
0x29: {  	s4 =	sld [smem:$0x3FB2]  }
0x2a: {  	p0 =	seq.s32 s5, $0x0;
	s5 =	sld [smem:$0x3FB3]  }
0x2b: {  	s6 =	sld [smem:$0x3FB4]  }
0x2c: {  	s7 =	sld [smem:$0x3FB5]  }
0x2d: {  	s3 =	simm.s32 $0x108;
	s8 =	sld [smem:$0x3FB6]  }
0x2e: {  	s3 =	simm.s32 @!p0 $0x1082;
	s9 =	sld [smem:$0x3FB7]  }
0x2f: {  	lr =	sadd.s32 s0, s3;
	s0 =	sld [smem:$0x3FAE]  }
0x30: {  	s3 =	sld [smem:$0x3FB1]  }
0x31: {  	[smem:$0x3FBA] =	sst s10  }
0x32: {  	s10 =	sld [smem:$0x3FB8];
	_ =	sdelay $0x3  }
0x33: {  	p0 =	seq.s32 s10, $0x1;
	s10 =	sld [smem:$0x3FBA];
	_ =	sdelay $0x3  }
0x34: {  	[smem:$0x3FBA] =	sst s10  }
0x35: {  	s10 =	sld [smem:$0x3FB9];
	_ =	sdelay $0x3  }
0x36: {  	p1 =	seq.s32 s10, $0x1;
	s10 =	sld [smem:$0x3FBA];
	_ =	sdelay $0x3  }
0x37: {  	[smem:$0x3FBA] =	sst s10  }
0x38: {  	s10 =	sld [smem:$0x3FBB]  }
0x39: {  	_ = 	snop;
	(pc) =	sbr.ind lr, $3  }
0x3a: {  	_ = 	snop  }
0x3b: {  	_ = 	snop  }
0x3c: {  	p2 =	seq.s32 s10, $0x1;
	s10 =	sld [smem:$0x3FBA]  }
0x3d: {  	_ =	shalt  }
0x3e: {  	_ =	shalt  }
0x3f: {  	_ =	shalt  }
0x40: {  	_ =	shalt  }
0x41: {  	_ =	shalt  }
0x42: {  	_ =	shalt  }
0x43: {  	_ =	shalt  }
0x44: {  	_ =	shalt  }
0x45: {  	_ =	shalt  }
0x46: {  	_ =	shalt  }
0x47: {  	_ =	shalt  }
0x48: {  	_ =	shalt  }
0x49: {  	_ =	shalt  }
0x4a: {  	_ =	shalt  }
0x4b: {  	_ =	shalt  }
0x4c: {  	_ =	shalt  }
0x4d: {  	_ =	shalt  }
0x4e: {  	_ =	shalt  }
0x4f: {  	_ =	shalt  }
0x50: {  	_ =	shalt  }
0x51: {  	_ =	shalt  }
0x52: {  	_ =	shalt  }
0x53: {  	_ =	shalt  }
0x54: {  	_ =	shalt  }
0x55: {  	_ =	shalt  }
0x56: {  	_ =	shalt  }
0x57: {  	_ =	shalt  }
0x58: {  	_ =	shalt  }
0x59: {  	_ =	shalt  }
0x5a: {  	_ =	shalt  }
0x5b: {  	_ =	shalt  }
0x5c: {  	_ =	shalt  }
0x5d: {  	_ =	shalt  }
0x5e: {  	_ =	shalt  }
0x5f: {  	_ =	shalt  }
0x60: {  	_ =	shalt  }
0x61: {  	_ =	shalt  }
0x62: {  	_ =	shalt  }
0x63: {  	_ =	shalt  }
0x64: {  	_ =	shalt  }
0x65: {  	_ =	shalt  }
0x66: {  	_ =	shalt  }
0x67: {  	_ =	shalt  }
0x68: {  	_ =	shalt  }
0x69: {  	_ =	shalt  }
0x6a: {  	_ =	shalt  }
0x6b: {  	_ =	shalt  }
0x6c: {  	_ =	shalt  }
0x6d: {  	_ =	shalt  }
0x6e: {  	_ =	shalt  }
0x6f: {  	_ =	shalt  }
0x70: {  	_ =	shalt  }
0x71: {  	_ =	shalt  }
0x72: {  	_ =	shalt  }
0x73: {  	_ =	shalt  }
0x74: {  	_ =	shalt  }
0x75: {  	_ =	shalt  }
0x76: {  	_ =	shalt  }
0x77: {  	_ =	shalt  }
0x78: {  	_ =	shalt  }
0x79: {  	_ =	shalt  }
0x7a: {  	_ =	shalt  }
0x7b: {  	_ =	shalt  }
0x7c: {  	_ =	shalt  }
0x7d: {  	_ =	shalt  }
0x7e: {  	_ =	shalt  }
0x7f: {  	_ =	shalt  }
0x80: {  	_ =	shalt  }
0x81: {  	_ =	shalt  }
0x82: {  	_ =	shalt  }
0x83: {  	_ =	shalt  }
0x84: {  	_ =	shalt  }
0x85: {  	_ =	shalt  }
0x86: {  	_ =	shalt  }
0x87: {  	_ =	shalt  }
.Lfunc_end0:
.L_simem_size_0:
called_computation_lowered:
.L_overlay_start_0:
0x88: {  	s2 =	sld [smem:$0x3FD9]  }
0x89: {  	s3 =	sld [smem:$0x3FFE];
	_ =	sdelay $0x1  }
0x8a: {  	s1 =	srdreg.scid  }
0x8b: {  	s0 =	sand.u32 $0x1, s1  }
0x8c: {  	s17 =	sshll.u32 s0, $0xA;
	s2 =	sadd.s32 s3, s2  }
0x8d: {  	s2 =	sadd.s32 s2, s17  }
0x8e: {  	[smem:$0x3FC6] =	sst s2  }
0x8f: {  	_ = 	snop  }
0x90: {  	s2 =	sld [smem:$0x3FC9]  }
0x91: {  	s18 =	sld [smem:$0x3FD0];
	(tm) =	ssettm $0x1  }
0x92: {  	s4 =	sld [smem:$0x3FFB];
	_ =	sdelay $0x3  }
0x93: {  	_ =	strace s4  }
0x94: {  	s4 =	sld [smem:$0x3FFC];
	_ =	sdelay $0x3  }
0x95: {  	_ =	strace s4  }
0x96: {  	s4 =	sld [smem:$0x3FFD];
	_ =	sdelay $0x3  }
0x97: {  	_ =	strace s4  }
0x98: {  	_ =	strace $0x8FFFFFFF  }
0x99: {  	s19 =	sld [smem:$0x3FDB];
	_ =	sdelay $0x1  }
0x9a: {  	s5 =	simm.s32 $_scs_section_size  }
0x9b: {  	s6 =	simm.s32 $_size__tile_overlayer_lowered;
	s7 =	simm.s32 $_tile_overlayer_lowered  }
0x9c: {  	s22 =	simm.s32 $0x1BFF;
	s21 =	sshll.u32 s7, $0x1;
	s4 =	sadd.s32 s5, s19  }
0x9d: {  	s8 =	simm.s32 $0x0;
	s20 =	sshll.u32 s6, $0x1;
	s6 =	sadd.s32 s21, s4  }
0x9e: {  	[timem:s8], [sflag:s22] =	dma.local [hbm:s6], s20  }
0x9f: {  	_ =	swait.ge [sflag:s22], s20  }
0xa0: {  	s5 =	ssub.s32 $0x0, s20;
	[sflag:s22] =	ssyncset.done $0x0  }
0xa1: {  	[sflag:s22] =	ssyncadd.s32 s5;
	_ =	sdelay $0x1  }
0xa2: {  	s23 =	simm.s32 $0x1B8B  }
0xa3: {  	_ =	swait.ge [sflag:s23], $0x1  }
0xa4: {  	[sflag:s23] =	ssyncset.done $0x0  }
0xa5: {  	s25 =	simm.s32 $0x1B8E;
	s24 =	sld [smem:$0x3FFE];
	[sflag:s23] =	ssyncadd.s32 $0xFFFFFFFF  }
0xa6: {  	s26 =	simm.s32 $execute0_lowered;
	[smem:$0x3FD2] =	sst s25  }
0xa7: {  	s6 =	sshll.u32 s26, $0x1;
	_ =	strace $0x80000046;
	[dreg:$0x1] =	wrdreg $0xFFFFFFFF  }
0xa8: {  	s28 =	simm.s32 $_size_execute0_lowered;
	s4 =	sadd.s32 s4, s6;
	[dreg:$0x0] =	wrdreg $0x0  }
0xa9: {  	s6 =	sshll.u32 s28, $0x1;
	[dreg:$0x2] =	wrdreg s4  }
0xaa: {  	[dreg:$0x3] =	wrdreg s6  }
0xab: {  	[dreg:$0x4] =	wrdreg $0xC0  }
0xac: {  	_ =	task [dreg:s8], $0x5FFFF  }
0xad: {  	[dreg:$0x1] =	wrdreg $0xFFFFFFFF  }
0xae: {  	[dreg:$0x0] =	wrdreg $0x60  }
0xaf: {  	[dreg:$0x2] =	wrdreg s2  }
0xb0: {  	[dreg:$0x3] =	wrdreg s18  }
0xb1: {  	[dreg:$0x4] =	wrdreg s24  }
0xb2: {  	[dreg:$0x5] =	wrdreg $0x128000  }
0xb3: {  	[dreg:$0x6] =	wrdreg $0x9  }
0xb4: {  	_ =	task.clear_ibuf [dreg:s8], $0x7FFFF;
	_ =	strace $0x90000046  }
0xb5: {  	s29 =	simm.s32 $0x9;
	_ =	strace $0x80000048  }
0xb6: {  	_ =	swait.ge [sflag:s29], $0x1  }
0xb7: {  	[sflag:s29] =	ssyncadd.s32 $0xFFFFFFFF  }
0xb8: {  	_ =	strace $0x90000048  }
0xb9: {  	_ =	sfence  }
0xba: {  	s30 =	sld [smem:$0x0];
	_ =	sdelay $0x2  }
0xbb: {  	s31 =	sshll.u32 s1, $0xD;
	s1 =	sshrl.u32 s1, $0x2  }
0xbc: {  	s3 =	sand.u32 $0x4000, s31;
	s1 =	sadd.s32 s1, s30  }
0xbd: {  	s0 =	sor.u32 s3, s0;
	s1 =	sshll.u32 s1, $0x11  }
0xbe: {  	s0 =	sor.u32 s1, s0  }
0xbf: {  	s0 =	sadd.s32 $0x8F2B, s0  }
0xc0: {  	[sflag:s0] =	ssyncadd.remote.s32 $0x1  }
0xc1: {  	_ =	sfence.sel $0xFFFF  }
0xc2: {  	[dreg:$0x0] =	wrdreg $0xFFFFFFFF;
	(pc) =	sbr.abs _section_cstart, $3  }
0xc3: {  	[dreg:$0x1] =	wrdreg $0xFFFFFFFF  }
0xc4: {  	_ =	task.clear_ibuf [dreg:s8], $0x2FFFF;
	_ =	strace $0x9FFFFFFF  }
0xc5: {  	(tm) =	ssettm $0x7FFFFFFF  }
tec
execute0_lowered:
.L_overlay_start_1:
0x0: {  	(tag) =	ssettag $0x1  }
0x1: {  	s12 =	rddreg [dreg:$0x0]  }
0x2: {  	s4 =	rddreg [dreg:$0x1]  }
0x3: {  	s5 =	rddreg [dreg:$0x2]  }
0x4: {  	s1 =	rddreg [dreg:$0x3];
	s0 =	simm.s32 $0x0  }
0x5: {  	s3 =	srdreg.scid;
	s20 =	simm.s32 $0x5;
	s21 =	simm.s32 $0x0  }
0x6: {  	[smem:$0x7FF] =	sst s0;
	s9 =	sand.u32 $0x1, s3;
	s3 =	stileid.u32  }
0x7: {  	_ =	strace $0x80000047;
	s6 =	sshll.u32 s9, $0x4;
	s14 =	smul.u32 $0x280000, s9  }
0x8: {  	s7 =	sshll.u32 s3, $0xC;
	s8 =	ssub.s32 $0x2, s9;
	s15 =	smul.u32 $0x28000, s3  }
0x9: {  	s28 =	sshll.u32 s3, $0xF;
	s11 =	sshll.u32 s9, $0x10;
	s16 =	smul.u32 $0x500, s9  }
0xa: {  	s17 =	smul.u32 $0x50, s3;
	s6 =	sor.u32 s3, s6;
	s10 =	sadd.s32 s7, s5  }
0xb: {  	s25 =	sshrl.u32 s8, $0x1;
	s5 =	sadd.s32 s28, s1;
	s26 =	smul.u32 $0x500, s6  }
0xc: {  	s13 =	ssub.s32 s8, s25;
	s29 =	smul.u32 $0x28000, s6;
	s6 =	sadd.s32 $0x4000, s5  }
0xd: {  	s11 =	sadd.s32 s11, s10;
	s14 =	sadd.s32 s14, s12;
	s31 =	sadd.s32 s17, s16  }
0xe: {  	s16 =	simm.s32 $0x6;
	s11 =	sadd.s32 $0x600, s11;
	s30 =	sadd.s32 s15, s14  }
0xf: {  	s14 =	sor.u32 $0x3, s31;
	s15 =	simm.s32 $0x2800;
	s4 =	sadd.s32 s4, s26  }
0x10: {  	s7 =	sadd.s32 s12, s29;
	s12 =	smax.u32 s13, $0x1;
	s13 =	sadd.s32 $0x3800, s30  }
0x11: {  	v0 =	vimm.f32 $0.0e+00;
	s8 =	sadd.s32 $0x800, s7;
	s9 =	sadd.s32 $0x1000, s7;
	s10 =	sadd.s32 $0x1800, s7  }
.LBB2_1:
0x12: {  	s0 =	simm.s32 $0x0;
	s22 =	simm.s32 $0x0;
	s23 =	simm.s32 $0x200  }
0x13: {  	[tilespmem:s0], [sflag:$0x5] =	stream.linear.gather [hbm4b:s4+s0], $0x2800, $0x38;
	[tilespmem:$0x1A800] =	vst v63  }
.LBB2_2:
0x14: {  	p0 =	sne.s32 s23, $0xFE00;
	[tilespmem:s22+$0x2870] =	vst v0  }
0x15: {  	[tilespmem:s22+$0x2800] =	vst v0  }
0x16: {  	[tilespmem:s22+$0x2810] =	vst v0  }
.Ltmp0:
0x17: {  	[tilespmem:s22+$0x2820] =	vst v0;
	(pc) =	sbr.rel @p0 .LBB2_2-.Ltmp0, $4  }
0x18: {  	[tilespmem:s22+$0x2830] =	vst v0  }
0x19: {  	[tilespmem:s22+$0x2840] =	vst v0  }
0x1a: {  	[tilespmem:s22+$0x2850] =	vst v0  }
0x1b: {  	[tilespmem:s22+$0x2860] =	vst v0;
	s22 =	sshra.s32 s23, $0x2;
	s23 =	sadd.s32 $0x200, s23  }
0x1c: {  	[tilespmem:s22+$0x2870] =	vst v0  }
0x1d: {  	[tilespmem:s22+$0x2800] =	vst v0  }
0x1e: {  	[tilespmem:s22+$0x2810] =	vst v0  }
0x1f: {  	[tilespmem:s22+$0x2820] =	vst v0  }
0x20: {  	[tilespmem:s22+$0x2830] =	vst v0  }
0x21: {  	[tilespmem:s22+$0x2840] =	vst v0  }
0x22: {  	[tilespmem:s22+$0x2850] =	vst v0  }
0x23: {  	[tilespmem:s22+$0x2860] =	vst v0  }
0x24: {  	[spmem:s5] =	stream.linear.scatter [tilespmem:s15], [sflag:$0x6], $0x4000, $0x38;
	[tilespmem:$0x1A800] =	vst v63  }
0x25: {  	_ =	swait.ge [sflag:s16], $0x4000  }
0x26: {  	[sflag:s16] =	ssyncset.done $0x0  }
0x27: {  	[sflag:s16] =	ssyncadd.s32 $0xFFFFC000  }
0x28: {  	[spmem:s6] =	stream.linear.scatter [tilespmem:s15], [sflag:$0x6], $0x4000, $0x38;
	[tilespmem:$0x1A800] =	vst v63  }
0x29: {  	_ =	swait.ge [sflag:s16], $0x4000  }
0x2a: {  	s25 =	simm.s32 $0x0;
	[sflag:s16] =	ssyncset.done $0x0  }
0x2b: {  	s0 =	simm.s32 $0x6800;
	s26 =	simm.s32 $0xA800;
	[sflag:s16] =	ssyncadd.s32 $0xFFFFC000  }
0x2c: {  	[tilespmem:s15], [sflag:$0x1] =	stream.linear.gather [hbm4b:s7+s25], $0x4000, $0x38;
	[tilespmem:$0x1A800] =	vst v63  }
0x2d: {  	s31 =	simm.s32 $0xE800;
	s22 =	sadd.s32 $0xFFFFFFFD, s14;
	s23 =	sadd.s32 $0xFFFFFFFE, s14  }
0x2e: {  	[tilespmem:s0], [sflag:$0x2] =	stream.linear.gather [hbm4b:s8+s25], $0x4000, $0x38;
	[tilespmem:$0x1A800] =	vst v63  }
0x2f: {  	s24 =	sadd.s32 $0xFFFFFFFF, s14;
	p5 =	sgt.u32 s14, $0x9C3;
	p0 =	slt.u32 s22, $0x9C4  }
0x30: {  	[tilespmem:s26], [sflag:$0x3] =	stream.linear.gather [hbm4b:s9+s25], $0x4000, $0x38;
	[tilespmem:$0x1A800] =	vst v63  }
0x31: {  	s29 =	simm.s32 @!p5 $0x4;
	s30 =	simm.s32 @!p5 $0xE800;
	p1 =	por @p0 $0x0, $0x0  }
0x32: {  	[tilespmem:s31], [sflag:$0x4] =	stream.linear.gather [hbm4b:s10+s25], $0x4000, $0x38;
	[tilespmem:$0x1A800] =	vst v63  }
0x33: {  	p6 =	por @p0 $0x1, $0x1;
	p2 =	por p1, !p0;
	_ =	swait.ge [sflag:s20], $0x2800  }
0x34: {  	p2 =	sgt.u32 @!p2 s22, $0x9BF;
	s22 =	simm.s32 @p0 $0x1;
	[sflag:s20] =	ssyncset.done $0x0  }
0x35: {  	p3 =	por @p0 p2, p1;
	p2 =	por @p0 !p2, p1;
	[sflag:s20] =	ssyncadd.s32 $0xFFFFD800  }
0x36: {  	p1 =	por !p1, !p0;
	p3 =	por p3, !p0;
	[bflag:$0x0] =	sbarrier.arrive $0xFFFF  }
0x37: {  	p2 =	por !p2, !p0;
	p4 =	por @!p3 $0x1, $0x1;
	_ =	swait.ge @p0 [sflag:s22], $0x4000  }
0x38: {  	s28 =	simm.s32 @!p3 $0x0;
	s26 =	simm.s32 @p0 $0x80;
	[sflag:s22] =	ssyncset.done @p0 $0x0  }
0x39: {  	s25 =	simm.s32 @p0 $0x2800;
	[sflag:s22] =	ssyncadd.s32 @p0 $0xFFFFC000;
	s22 =	simm.s32 @p0 $0x0  }
0x3a: {  	[spmem:s1] =	stream.indirect.scatter.add.f32 @p0 [tilespmem:s25], [sflag:$0x6], $0x80, s22, s26, $0xb8;
	[tilespmem:$0x1A800] =	vst v63  }
0x3b: {  	p6 =	por @!p2 p4, p4;
	p2 =	por @p0 $0x1, $0x1;
	s22 =	simm.s32 @p0 $0x6  }
0x3c: {  	p6 =	por @!p1 p2, p2;
	p2 =	sgt.u32 s23, $0x9C3;
	_ =	swait.ge @p0 [sflag:s22], $0x4000  }
0x3d: {  	p4 =	sgt.u32 s24, $0x9C3;
	p1 =	sgt.u32 @!p2 s23, $0x9BF;
	[sflag:s22] =	ssyncset.done @p0 $0x0  }
0x3e: {  	s26 =	sadd.s32 @!p3 $0xFFFFE800, s13;
	[sflag:s22] =	ssyncadd.s32 @p0 $0xFFFFC000;
	s22 =	simm.s32 @!p3 $0x2800  }
0x3f: {  	[tilespmem:s22], [sflag:$0x1] =	stream.linear.gather @!p3 [hbm4b:s26+s28], $0x4000, $0x38;
	[tilespmem:$0x1A800] =	vst v63  }
0x40: {  	s23 =	simm.s32 @!p2 $0x6800;
	s25 =	simm.s32 @!p2 $0x2;
	p3 =	por @!p0 $0x1, $0x1  }
0x41: {  	s22 =	simm.s32 @!p2 $0x80;
	p6 =	por @!p0 p3, p3;
	_ =	swait.ge @!p2 [sflag:s25], $0x4000  }
0x42: {  	s26 =	simm.s32 @!p2 $0x6;
	p0 =	por @!p2 !p6, !p6;
	[sflag:s25] =	ssyncset.done @!p2 $0x0  }
0x43: {  	s28 =	simm.s32 @!p2 $0x80;
	p0 =	por @!p2 p1, p0;
	[sflag:s25] =	ssyncadd.s32 @!p2 $0xFFFFC000  }
0x44: {  	[spmem:s1] =	stream.indirect.scatter.add.f32 @!p2 [tilespmem:s23], [sflag:$0x6], $0x80, s22, s28, $0xb8;
	[tilespmem:$0x1A800] =	vst v63  }
0x45: {  	p1 =	por @!p4 !p6, !p6;
	p0 =	por p0, p2;
	_ =	swait.ge @!p2 [sflag:s26], $0x4000  }
0x46: {  	s22 =	simm.s32 @!p4 $0x3;
	s23 =	sadd.s32 @!p0 $0xFFFFF000, s13;
	[sflag:s26] =	ssyncset.done @!p2 $0x0  }
0x47: {  	s25 =	simm.s32 @!p0 $0x0;
	s28 =	simm.s32 @!p0 $0x6800;
	[sflag:s26] =	ssyncadd.s32 @!p2 $0xFFFFC000  }
0x48: {  	[tilespmem:s28], [sflag:$0x2] =	stream.linear.gather @!p0 [hbm4b:s23+s25], $0x4000, $0x38;
	[tilespmem:$0x1A800] =	vst v63  }
0x49: {  	p2 =	por @!p5 !p6, !p6;
	s26 =	simm.s32 @!p5 $0x180;
	p0 =	sgt.u32 @!p4 s24, $0x9BF  }
0x4a: {  	s23 =	simm.s32 @!p4 $0x100;
	s24 =	simm.s32 @!p4 $0x80;
	_ =	swait.ge @!p4 [sflag:s22], $0x4000  }
0x4b: {  	s25 =	simm.s32 @!p4 $0xA800;
	s28 =	simm.s32 @!p5 $0x80;
	[sflag:s22] =	ssyncset.done @!p4 $0x0  }
0x4c: {  	p0 =	por @!p4 p0, p1;
	[sflag:s22] =	ssyncadd.s32 @!p4 $0xFFFFC000;
	s22 =	simm.s32 @!p4 $0x6  }
0x4d: {  	[spmem:s1] =	stream.indirect.scatter.add.f32 @!p4 [tilespmem:s25], [sflag:$0x6], $0x80, s23, s24, $0xb8;
	[tilespmem:$0x1A800] =	vst v63  }
0x4e: {  	p1 =	sgt.u32 @!p5 s14, $0x9BF;
	p0 =	por p0, p4;
	_ =	swait.ge @!p4 [sflag:s22], $0x4000  }
0x4f: {  	p1 =	por @!p5 p1, p2;
	s23 =	simm.s32 @!p0 $0xA800;
	[sflag:s22] =	ssyncset.done @!p4 $0x0  }
0x50: {  	s24 =	simm.s32 @!p0 $0x0;
	[sflag:s22] =	ssyncadd.s32 @!p4 $0xFFFFC000;
	s22 =	sadd.s32 @!p0 $0xFFFFF800, s13  }
0x51: {  	[tilespmem:s23], [sflag:$0x3] =	stream.linear.gather @!p0 [hbm4b:s22+s24], $0x4000, $0x38;
	[tilespmem:$0x1A800] =	vst v63  }
0x52: {  	s25 =	sadd.s32 $0x4, s14;
	s22 =	simm.s32 $0x800;
	_ =	swait.ge @!p5 [sflag:s29], $0x4000  }
0x53: {  	s24 =	sadd.s32 $0x2000, s13;
	s23 =	smov.u32 s13;
	[sflag:s29] =	ssyncset.done @!p5 $0x0  }
.LBB2_4:
0x54: {  	[sflag:s29] =	ssyncadd.s32 @!p5 $0xFFFFC000  }
0x55: {  	s29 =	simm.s32 @!p5 $0x6;
	p0 =	por p1, p5;
	s31 =	sadd.s32 $0xFFFFFFFD, s25  }
0x56: {  	[spmem:s1] =	stream.indirect.scatter.add.f32 @!p5 [tilespmem:s30], [sflag:$0x6], $0x80, s26, s28, $0xb8;
	[tilespmem:$0x1A800] =	vst v63  }
0x57: {  	s28 =	simm.s32 @!p0 $0x0;
	s30 =	simm.s32 @!p0 $0xE800;
	s26 =	smov.u32 s22  }
0x58: {  	s22 =	sadd.s32 $0x800, s22;
	p6 =	slt.u32 s31, $0x9C4;
	_ =	swait.ge @!p5 [sflag:s29], $0x4000  }
0x59: {  	p1 =	sne.s32 s22, $0xA000;
	s17 =	simm.s32 @p6 $0x80;
	[sflag:s29] =	ssyncset.done @!p5 $0x0  }
0x5a: {  	s0 =	simm.s32 @!p1 $0x0;
	[sflag:s29] =	ssyncadd.s32 @!p5 $0xFFFFC000;
	p5 =	sgt.u32 s25, $0x9C3  }
0x5b: {  	[tilespmem:s30], [sflag:$0x4] =	stream.linear.gather @!p0 [hbm4b:s23+s28], $0x4000, $0x38;
	[tilespmem:$0x1A800] =	vst v63  }
0x5c: {  	s0 =	simm.s32 @p1 $0x1;
	s29 =	sadd.s32 $0xFFFFFFFE, s25;
	p0 =	sgt.u32 @!p5 s25, $0x9BF  }
0x5d: {  	[smem:$0x7FD] =	sst s0;
	p2 =	sgt.u32 s29, $0x9C3;
	s0 =	simm.s32 @!p0 $0x0  }
0x5e: {  	p1 =	sgt.u32 @!p2 s29, $0x9BF;
	s0 =	simm.s32 @p0 $0x1;
	p0 =	seq.s32 @p6 s26, $0x9800  }
0x5f: {  	s2 =	simm.s32 @!p1 $0x0;
	[smem:$0x7FB] =	sst s0;
	s0 =	simm.s32 @p6 $0x1  }
0x60: {  	s2 =	simm.s32 @p1 $0x1;
	p1 =	por p0, !p6;
	p3 =	por !p0, !p6  }
0x61: {  	[smem:$0x7FA] =	sst s2;
	s2 =	simm.s32 @p6 $0x2800;
	s19 =	simm.s32 @!p3 $0x0  }
0x62: {  	p1 =	sgt.u32 @!p1 s31, $0x9BF;
	_ =	swait.ge @p6 [sflag:s0], $0x4000;
	s19 =	simm.s32 @p3 $0x1  }
0x63: {  	p3 =	por @p6 p1, p0;
	p1 =	por @p6 !p1, p0;
	[sflag:s0] =	ssyncset.done @p6 $0x0  }
0x64: {  	p1 =	por !p1, !p6;
	[sflag:s0] =	ssyncadd.s32 @p6 $0xFFFFC000;
	s0 =	sshra.s32 @p6 s26, $0x2  }
0x65: {  	[spmem:s1] =	stream.indirect.scatter.add.f32 @p6 [tilespmem:s2], [sflag:$0x6], $0x80, s0, s17, $0xb8;
	[tilespmem:$0x1A800] =	vst v63  }
0x66: {  	s18 =	simm.s32 @p6 $0x6;
	[smem:$0x7F7] =	sst s19;
	s0 =	simm.s32 @!p1 $0x0  }
0x67: {  	_ =	swait.ge @p6 [sflag:s18], $0x4000;
	s0 =	simm.s32 @p1 $0x1  }
0x68: {  	p0 =	por p3, !p6;
	[smem:$0x7F6] =	sst s0  }
0x69: {  	p3 =	sne.s32 @p6 s26, $0x9800;
	p1 =	sne.s32 @!p6 s26, $0x9800;
	s19 =	sld [smem:$0x7F6]  }
0x6a: {  	s0 =	simm.s32 @!p3 $0x0;
	s17 =	simm.s32 @!p1 $0x0  }
0x6b: {  	s0 =	simm.s32 @p3 $0x1;
	s17 =	simm.s32 @p1 $0x1  }
0x6c: {  	p1 =	por p3, p3;
	p3 =	seq.s32 s19, $0x1;
	s19 =	sld [smem:$0x7F7]  }
0x6d: {  	_ = 	snop  }
0x6e: {  	p4 =	por @!p0 $0x1, $0x1;
	[smem:$0x7F8] =	sst s0  }
0x6f: {  	p1 =	por @!p3 p4, p4;
	p4 =	seq.s32 s19, $0x1;
	s19 =	sld [smem:$0x7F8]  }
0x70: {  	_ = 	snop  }
0x71: {  	s30 =	sadd.s32 $0xFFFFFFFF, s25;
	s2 =	simm.s32 @!p0 $0x0;
	[smem:$0x7F9] =	sst s17  }
0x72: {  	[sflag:s18] =	ssyncset.done @p6 $0x0;
	p3 =	seq.s32 s19, $0x1;
	s19 =	sld [smem:$0x7F9]  }
0x73: {  	[sflag:s18] =	ssyncadd.s32 @p6 $0xFFFFC000;
	s0 =	sadd.s32 @!p0 $0xFFFFE800, s24;
	s17 =	simm.s32 @!p0 $0x2800  }
0x74: {  	[tilespmem:s17], [sflag:$0x1] =	stream.linear.gather @!p0 [hbm4b:s0+s2], $0x4000, $0x38;
	[tilespmem:$0x1A800] =	vst v63  }
0x75: {  	p1 =	por @!p4 p3, p3;
	p4 =	sgt.u32 s30, $0x9C3;
	p3 =	seq.s32 s19, $0x1  }
0x76: {  	p1 =	por @!p6 p3, p3;
	p3 =	sgt.u32 @!p4 s30, $0x9BF  }
0x77: {  	s30 =	simm.s32 @!p3 $0x0  }
0x78: {  	s30 =	simm.s32 @p3 $0x1  }
0x79: {  	s28 =	simm.s32 @!p2 $0x2;
	s29 =	sshra.s32 @!p2 s26, $0x2;
	[smem:$0x7FC] =	sst s30  }
0x7a: {  	s29 =	sadd.s32 @!p2 $0x80, s29;
	s31 =	simm.s32 @!p2 $0x6800;
	_ =	swait.ge @!p2 [sflag:s28], $0x4000  }
0x7b: {  	s18 =	simm.s32 @!p2 $0x6;
	[sflag:s28] =	ssyncset.done @!p2 $0x0;
	s17 =	sld [smem:$0x7FA]  }
0x7c: {  	s0 =	simm.s32 @!p4 $0x3;
	s19 =	simm.s32 @!p2 $0x80;
	[sflag:s28] =	ssyncadd.s32 @!p2 $0xFFFFC000  }
0x7d: {  	[spmem:s1] =	stream.indirect.scatter.add.f32 @!p2 [tilespmem:s31], [sflag:$0x6], $0x80, s29, s19, $0xb8;
	[tilespmem:$0x1A800] =	vst v63  }
0x7e: {  	p3 =	por @!p2 !p1, !p1;
	p6 =	seq.s32 s17, $0x1;
	_ =	swait.ge @!p2 [sflag:s18], $0x4000  }
0x7f: {  	p3 =	por @!p2 p6, p3;
	[sflag:s18] =	ssyncset.done @!p2 $0x0;
	s28 =	sld [smem:$0x7FB]  }
0x80: {  	p0 =	por @!p4 !p1, !p1;
	p3 =	por p3, p2;
	[sflag:s18] =	ssyncadd.s32 @!p2 $0xFFFFC000  }
0x81: {  	s18 =	sshra.s32 @!p4 s26, $0x2;
	s2 =	sadd.s32 @!p3 $0xFFFFF000, s24;
	s17 =	simm.s32 @!p3 $0x0  }
0x82: {  	s19 =	simm.s32 @!p3 $0x6800;
	p6 =	seq.s32 s28, $0x1;
	s28 =	sld [smem:$0x7FC]  }
0x83: {  	[tilespmem:s19], [sflag:$0x2] =	stream.linear.gather @!p3 [hbm4b:s2+s17], $0x4000, $0x38;
	[tilespmem:$0x1A800] =	vst v63  }
0x84: {  	s2 =	sadd.s32 @!p4 $0x100, s18;
	s18 =	simm.s32 @!p4 $0x80;
	_ =	swait.ge @!p4 [sflag:s0], $0x4000  }
0x85: {  	s19 =	simm.s32 @!p4 $0xA800;
	[sflag:s0] =	ssyncset.done @!p4 $0x0;
	p2 =	seq.s32 s28, $0x1  }
0x86: {  	[sflag:s0] =	ssyncadd.s32 @!p4 $0xFFFFC000;
	s0 =	simm.s32 @!p4 $0x6;
	p0 =	por @!p4 p2, p0  }
0x87: {  	[spmem:s1] =	stream.indirect.scatter.add.f32 @!p4 [tilespmem:s19], [sflag:$0x6], $0x80, s2, s18, $0xb8;
	[tilespmem:$0x1A800] =	vst v63  }
0x88: {  	p0 =	por p0, p4;
	_ =	swait.ge @!p4 [sflag:s0], $0x4000  }
0x89: {  	s29 =	simm.s32 @!p5 $0x4;
	s2 =	sadd.s32 @!p0 $0xFFFFF800, s24;
	[sflag:s0] =	ssyncset.done @!p4 $0x0  }
0x8a: {  	s18 =	simm.s32 @!p0 $0xA800;
	s19 =	simm.s32 @!p0 $0x0;
	[sflag:s0] =	ssyncadd.s32 @!p4 $0xFFFFC000  }
0x8b: {  	[tilespmem:s18], [sflag:$0x3] =	stream.linear.gather @!p0 [hbm4b:s2+s19], $0x4000, $0x38;
	[tilespmem:$0x1A800] =	vst v63  }
0x8c: {  	_ =	swait.ge @!p5 [sflag:s29], $0x4000  }
0x8d: {  	s31 =	sld [smem:$0x7FD];
	_ =	sdelay $0x2  }
0x8e: {  	p0 =	seq.s32 s31, $0x1  }
.Ltmp1:
0x8f: {  	_ = 	snop;
	(pc) =	sbr.rel @p0 .LBB2_4-.Ltmp1, $4  }
0x90: {  	s23 =	smov.u32 s24  }
0x91: {  	s25 =	sadd.s32 $0x4, s25;
	p1 =	por @!p5 !p1, !p1;
	s17 =	sshra.s32 @!p5 s26, $0x2  }
0x92: {  	s30 =	simm.s32 @!p5 $0xE800;
	p1 =	por @!p5 p6, p1;
	s26 =	sadd.s32 @!p5 $0x180, s17  }
0x93: {  	s28 =	simm.s32 @!p5 $0x80;
	s24 =	sadd.s32 $0x2000, s24;
	[sflag:s29] =	ssyncset.done @!p5 $0x0  }
0x94: {  	[sflag:s29] =	ssyncadd.s32 @!p5 $0xFFFFC000;
	s0 =	simm.s32 @!p5 $0x6  }
0x95: {  	[spmem:s1] =	stream.indirect.scatter.add.f32 @!p5 [tilespmem:s30], [sflag:$0x6], $0x80, s26, s28, $0xb8;
	[tilespmem:$0x1A800] =	vst v63  }
0x96: {  	_ =	swait.ge @!p5 [sflag:s0], $0x4000  }
0x97: {  	p0 =	por p1, p5;
	s21 =	sadd.s32 $0x1, s21;
	[sflag:s0] =	ssyncset.done @!p5 $0x0  }
0x98: {  	s2 =	simm.s32 @!p0 $0x0;
	s17 =	simm.s32 @!p0 $0xE800;
	[sflag:s0] =	ssyncadd.s32 @!p5 $0xFFFFC000  }
0x99: {  	[tilespmem:s17], [sflag:$0x4] =	stream.linear.gather @!p0 [hbm4b:s23+s2], $0x4000, $0x38;
	[tilespmem:$0x1A800] =	vst v63  }
0x9a: {  	s31 =	sshrl.u32 s5, $0x3;
	s30 =	sshll.u32 s3, $0x6;
	p0 =	sne.s32 s21, s12  }
.Ltmp2:
0x9b: {  	s0 =	sor.u32 $0x1C06, s30;
	[bflag:$0x0] =	sbarrier.arrive $0xFFFF;
	(pc) =	sbr.rel @p0 .LBB2_1-.Ltmp2, $4  }
0x9c: {  	[hbm:s11], [sflag:s0] =	dma.local [spmem:s31], $0x1000  }
0x9d: {  	_ =	swait.ge [sflag:s16], $0x1000  }
0x9e: {  	[sflag:s16] =	ssyncset.done $0x0  }
0x9f: {  	[sflag:s16] =	ssyncadd.s32 $0xFFFFF000  }
0xa0: {  	_ =	sfence.sel $0x180000  }
0xa1: {  	[bflag:$0x0] =	sbarrier.arrive $0xFFFF  }
0xa2: {  	_ =	strace $0x90000047  }
0xa3: {  	[bflag:$0x2] =	sbarrier.arrive $0xFFFF  }
0xa4: {  	p0 =	sne.s32 s3, $0x0;
	s0 =	rddreg [dreg:$0x4]  }
0xa5: {  	s0 =	sadd.s32 @!p0 $0x100000, s0  }
0xa6: {  	[sflag:s0] =	ssyncadd.tile.s32 @!p0 $0x1;
	_ =	shalt  }
.Lfunc_end2:
_tile_overlayer_lowered:
.L_overlay_start_2:
0xa7: {  	(tag) =	ssettag $0x2  }
0xa8: {  	s0 =	rddreg [dreg:$0x0];
	s2 =	stileid.u32  }
0xa9: {  	s1 =	rddreg [dreg:$0x1];
	p0 =	sne.s32 s2, $0x0  }
0xaa: {  	s3 =	rddreg [dreg:$0x2];
	[bflag:$0x3] =	sbarrier.arrive $0xFFFF;
	s2 =	simm.s32 @!p0 $0x1C06  }
0xab: {  	[timem:s3], [sflag:s2] =	dma.local @!p0 [hbm:s0], s1  }
0xac: {  	s0 =	simm.s32 @!p0 $0x6  }
0xad: {  	_ =	swait.ge @!p0 [sflag:s0], s1  }
0xae: {  	s1 =	ssub.s32 @!p0 $0x0, s1;
	[sflag:s0] =	ssyncset.done @!p0 $0x0  }
0xaf: {  	[sflag:s0] =	ssyncadd.s32 @!p0 s1  }
0xb0: {  	[bflag:$0x3] =	sbarrier.arrive $0xFFFF  }
0xb1: {  	_ =	shalt  }

</sc_bundles>
